<compile_context>
chip_gen: v7x
topology: tpu7x:2x2x1
jax: 0.10.2.dev20260603
libtpu: 0.0.44.dev20260713+nightly
codegen_flags: <defaults>
</compile_context>

<pallas_src>
import functools
import math

import jax
import jax.numpy as jnp
from jax import lax
from jax.experimental import pallas as pl
from jax.experimental.pallas import tpu as pltpu
from jax.experimental.pallas import tpu_sc as plsc

D_MODEL = 64
SCALE = float(math.sqrt(D_MODEL))

NUM_CORES = 2
NUM_SUBCORES = 16
NUM_WORKERS = NUM_CORES * NUM_SUBCORES

BBLK = 128
OSTRIDE = 128


def _make_sc_lookup(b: int, t: int, d: int, vocab: int):
    assert b == NUM_WORKERS * BBLK and d == 64 and t % 4 == 0

    mesh = plsc.VectorSubcoreMesh(core_axis_name="c", subcore_axis_name="s")

    @functools.partial(
        pl.kernel,
        out_type=jax.ShapeDtypeStruct((t, d, b), jnp.float32),
        mesh=mesh,
        scratch_types=[
            pltpu.VMEM((t, BBLK), jnp.int32),
            pltpu.VMEM((4, BBLK, 128), jnp.float32),
            pltpu.VMEM((2, d, OSTRIDE), jnp.float32),
        ] + [pltpu.SemaphoreType.DMA] * 6,
        compiler_params=pltpu.CompilerParams(needs_layout_passes=False),
    )
    def lookup(xt_hbm, lutp_hbm, out_hbm, idx_v, rows_v, obuf_v, *sems):
        gsems = sems[:4]
        osems = sems[4:]

        w = lax.axis_index("s") * NUM_CORES + lax.axis_index("c")
        ob = pl.ds(w * BBLK, BBLK)
        pltpu.sync_copy(xt_hbm.at[:, ob], idx_v)

        lane = jax.lax.iota(jnp.int32, 16)
        kc_rows = [lane + kc * 16 for kc in range(d // 16)]

        def start_gather(g, par):
            pltpu.async_copy(lutp_hbm.at[idx_v.at[g]],
                             rows_v.at[par], gsems[par])

        def wait_gather(g, par):
            pltpu.make_async_copy(lutp_hbm.at[idx_v.at[g]],
                                  rows_v.at[par], gsems[par]).wait()

        for par in range(4):
            start_gather(par, par)

        def gg_body(gg, carry):
            for par in range(4):
                g = gg * 4 + par
                wait_gather(g, par)

                obi = par % 2
                @pl.when(g >= 2)
                def _wait_out():
                    pltpu.make_async_copy(
                        obuf_v.at[obi, :, pl.ds(0, BBLK)],
                        out_hbm.at[g - 2, :, ob], osems[obi]).wait()

                @plsc.parallel_loop(0, BBLK, 1, unroll=4)
                def j_body(j):
                    jv = jnp.full((16,), 0, jnp.int32) + j
                    for kc in range(d // 16):
                        v = rows_v[par, j, pl.ds(kc * 16, 16)] * SCALE
                        plsc.store_scatter(obuf_v.at[obi],
                                           [kc_rows[kc], jv], v)

                pltpu.async_copy(obuf_v.at[obi, :, pl.ds(0, BBLK)],
                                 out_hbm.at[g, :, ob], osems[obi])

                @pl.when(gg < t // 4 - 1)
                def _next_gather():
                    start_gather(g + 4, par)
            return carry

        lax.fori_loop(0, t // 4, gg_body, 0)

        for obi, gl in ((0, t - 2), (1, t - 1)):
            pltpu.make_async_copy(obuf_v.at[obi, :, pl.ds(0, BBLK)],
                                  out_hbm.at[gl, :, ob], osems[obi]).wait()

    return lookup


def kernel(x, lut):
    b, t = x.shape
    vocab, d = lut.shape
    xt = x.T.astype(jnp.int32)
    lutp = jnp.pad(lut, ((0, 0), (0, 128 - d)))
    out = _make_sc_lookup(b, t, d, vocab)(xt, lutp)
    return jnp.transpose(out, (2, 0, 1))

# --- scband reference (transcript-rebuilt; emitter-appended) ---
"""Pipeline reference for scband-input-embedding-5196910428345 (READ-ONLY COPY).

The authoritative reference and input builder live on the scoring server;
editing this copy changes nothing except your own understanding.
"""

import jax, jax.numpy as jnp
import numpy as np
import math

D_MODEL = 64
VOCAB = 1000000

def setup_inputs(seed: int = 0) -> dict:
    key = jax.random.key(seed)
    k1, k2 = jax.random.split(key)
    x = jax.random.randint(k1, (4096, 200), 0, VOCAB, dtype=jnp.int64 if jax.config.jax_enable_x64 else jnp.int32)
    lut = jax.random.normal(k2, (VOCAB, D_MODEL), dtype=jnp.float32)
    return {"x": x, "lut": lut}

def reference(x, lut):
    # InputEmbedding.forward: self.lut(x) * sqrt(d_model)
    emb = jnp.take(lut, x, axis=0)
    return emb * math.sqrt(D_MODEL)

if __name__ == "__main__":
    import jax
    _d = setup_inputs()
    print(jax.jit(kernel)(*tuple(_d.values())))

</pallas_src>

<mosaic_0001>
#map = affine_map<(d0, d1) -> (0, 0)>
#map1 = affine_map<(d0, d1) -> (0, 0, 0)>
module attributes {stable_mosaic.version = 14 : i64} {
  func.func @lookup(%arg0: i32, %arg1: i32, %arg2: memref<200x4096xi32, #tpu.memory_space<hbm>>, %arg3: memref<1000000x128xf32, #tpu.memory_space<hbm>>, %arg4: memref<200x64x4096xf32, #tpu.memory_space<hbm>>, %arg5: memref<200x128xi32, #tpu.memory_space<vmem>>, %arg6: memref<4x128x128xf32, #tpu.memory_space<vmem>>, %arg7: memref<2x64x128xf32, #tpu.memory_space<vmem>>, %arg8: memref<!tpu.dma_semaphore, #tpu.memory_space<semaphore_mem>>, %arg9: memref<!tpu.dma_semaphore, #tpu.memory_space<semaphore_mem>>, %arg10: memref<!tpu.dma_semaphore, #tpu.memory_space<semaphore_mem>>, %arg11: memref<!tpu.dma_semaphore, #tpu.memory_space<semaphore_mem>>, %arg12: memref<!tpu.dma_semaphore, #tpu.memory_space<semaphore_mem>>, %arg13: memref<!tpu.dma_semaphore, #tpu.memory_space<semaphore_mem>>) attributes {dimension_semantics = [#tpu.dimension_semantics<core_parallel>, #tpu.dimension_semantics<subcore_parallel>], iteration_bounds = array<i64: 2, 16>, scalar_prefetch = 0 : i64, scratch_operands = 9 : i64, tpu.core_type = #tpu.core_type<sc_vector_subcore>, window_params = [{transform_indices = #map}, {transform_indices = #map}, {transform_indices = #map1}]} {
    %mul3A = arith.constant 2 : i32
    %mul3A_0 = arith.muli %arg1, %mul3A : i32
    %add3A = arith.addi %mul3A_0, %arg0 : i32
    %mul3A_1 = arith.constant 128 : i32
    %mul3A_2 = arith.muli %add3A, %mul3A_1 : i32
    "tpu.region"() ({
      %run_scoped3A = tpu.sem_alloc : memref<!tpu.dma_semaphore, #tpu.memory_space<semaphore_mem>>
      %dma_start3A_98 = arith.constant 0 : i32
      %dma_start3A_99 = tpu.memref_slice %arg2[%dma_start3A_98, %mul3A_2] : memref<200x4096xi32, #tpu.memory_space<hbm>> -> memref<200x128xi32, #tpu.memory_space<hbm>>
      %dma_start3A_100 = arith.constant 0 : i32
      %dma_start3A_101 = tpu.memref_slice %arg2[%dma_start3A_100, %mul3A_2] : memref<200x4096xi32, #tpu.memory_space<hbm>> -> memref<200x128xi32, #tpu.memory_space<hbm>>
      tpu.enqueue_dma source(%dma_start3A_101 : memref<200x128xi32, #tpu.memory_space<hbm>>) target(%arg5 : memref<200x128xi32, #tpu.memory_space<vmem>>) target_semaphore(%run_scoped3A : memref<!tpu.dma_semaphore, #tpu.memory_space<semaphore_mem>>)
      %dma_wait3A_102 = arith.constant 0 : i32
      %dma_wait3A_103 = tpu.memref_slice %arg2[%dma_wait3A_102, %mul3A_2] : memref<200x4096xi32, #tpu.memory_space<hbm>> -> memref<200x128xi32, #tpu.memory_space<hbm>>
      %dma_wait3A_104 = arith.constant 0 : i32
      %dma_wait3A_105 = tpu.memref_slice %arg2[%dma_wait3A_104, %mul3A_2] : memref<200x4096xi32, #tpu.memory_space<hbm>> -> memref<200x128xi32, #tpu.memory_space<hbm>>
      tpu.wait_dma2 semaphore(%run_scoped3A : memref<!tpu.dma_semaphore, #tpu.memory_space<semaphore_mem>>) src(%dma_wait3A_105 : memref<200x128xi32, #tpu.memory_space<hbm>>) dst(%arg5 : memref<200x128xi32, #tpu.memory_space<vmem>>)
      tpu.yield
    }) : () -> ()
    %iota3A = tpu.iota {dimensions = array<i32: 0>} : vector<16xi32>
    %add3A_3 = arith.constant 0 : i32
    %add3A_4 = vector.broadcast %add3A_3 : i32 to vector<16xi32>
    %add3A_5 = arith.addi %iota3A, %add3A_4 : vector<16xi32>
    %add3A_6 = arith.constant 16 : i32
    %add3A_7 = vector.broadcast %add3A_6 : i32 to vector<16xi32>
    %add3A_8 = arith.addi %iota3A, %add3A_7 : vector<16xi32>
    %add3A_9 = arith.constant 32 : i32
    %add3A_10 = vector.broadcast %add3A_9 : i32 to vector<16xi32>
    %add3A_11 = arith.addi %iota3A, %add3A_10 : vector<16xi32>
    %add3A_12 = arith.constant 48 : i32
    %add3A_13 = vector.broadcast %add3A_12 : i32 to vector<16xi32>
    %add3A_14 = arith.addi %iota3A, %add3A_13 : vector<16xi32>
    %dma_start3A = arith.constant 0 : i32
    %dma_start3A_15 = arith.constant 0 : i32
    %dma_start3A_16 = arith.constant 0 : i32
    %dma_start3A_17 = arith.constant 0 : i32
    %dma_start3A_18 = tpu.memref_slice %arg6[%dma_start3A_15, %dma_start3A_16, %dma_start3A_17] : memref<4x128x128xf32, #tpu.memory_space<vmem>> -> memref<1x128x128xf32, #tpu.memory_space<vmem>>
    %dma_start3A_19 = tpu.memref_squeeze %dma_start3A_18 : memref<1x128x128xf32, #tpu.memory_space<vmem>> -> memref<128x128xf32, #tpu.memory_space<vmem>>
    %dma_start3A_20 = arith.constant 0 : i32
    %dma_start3A_21 = tpu.memref_slice %arg5[%dma_start3A, %dma_start3A_20] : memref<200x128xi32, #tpu.memory_space<vmem>> -> memref<1x128xi32, #tpu.memory_space<vmem>>
    %dma_start3A_22 = tpu.memref_squeeze %dma_start3A_21 : memref<1x128xi32, #tpu.memory_space<vmem>> -> memref<128xi32, #tpu.memory_space<vmem>>
    %dma_start3A_23 = arith.constant 0 : i32
    %dma_start3A_24 = arith.constant 0 : i32
    %dma_start3A_25 = tpu.memref_slice %arg3[%dma_start3A_23, %dma_start3A_24] : memref<1000000x128xf32, #tpu.memory_space<hbm>> -> memref<1000000x128xf32, #tpu.memory_space<hbm>>
    tpu.enqueue_indirect_dma source(%dma_start3A_25 : memref<1000000x128xf32, #tpu.memory_space<hbm>>) target(%dma_start3A_19 : memref<128x128xf32, #tpu.memory_space<vmem>>) offsets(%dma_start3A_22 : memref<128xi32, #tpu.memory_space<vmem>>) semaphore(%arg8 : memref<!tpu.dma_semaphore, #tpu.memory_space<semaphore_mem>>)
    %dma_start3A_26 = arith.constant 1 : i32
    %dma_start3A_27 = arith.constant 1 : i32
    %dma_start3A_28 = arith.constant 0 : i32
    %dma_start3A_29 = arith.constant 0 : i32
    %dma_start3A_30 = tpu.memref_slice %arg6[%dma_start3A_27, %dma_start3A_28, %dma_start3A_29] : memref<4x128x128xf32, #tpu.memory_space<vmem>> -> memref<1x128x128xf32, #tpu.memory_space<vmem>>
    %dma_start3A_31 = tpu.memref_squeeze %dma_start3A_30 : memref<1x128x128xf32, #tpu.memory_space<vmem>> -> memref<128x128xf32, #tpu.memory_space<vmem>>
    %dma_start3A_32 = arith.constant 0 : i32
    %dma_start3A_33 = tpu.memref_slice %arg5[%dma_start3A_26, %dma_start3A_32] : memref<200x128xi32, #tpu.memory_space<vmem>> -> memref<1x128xi32, #tpu.memory_space<vmem>>
    %dma_start3A_34 = tpu.memref_squeeze %dma_start3A_33 : memref<1x128xi32, #tpu.memory_space<vmem>> -> memref<128xi32, #tpu.memory_space<vmem>>
    %dma_start3A_35 = arith.constant 0 : i32
    %dma_start3A_36 = arith.constant 0 : i32
    %dma_start3A_37 = tpu.memref_slice %arg3[%dma_start3A_35, %dma_start3A_36] : memref<1000000x128xf32, #tpu.memory_space<hbm>> -> memref<1000000x128xf32, #tpu.memory_space<hbm>>
    tpu.enqueue_indirect_dma source(%dma_start3A_37 : memref<1000000x128xf32, #tpu.memory_space<hbm>>) target(%dma_start3A_31 : memref<128x128xf32, #tpu.memory_space<vmem>>) offsets(%dma_start3A_34 : memref<128xi32, #tpu.memory_space<vmem>>) semaphore(%arg9 : memref<!tpu.dma_semaphore, #tpu.memory_space<semaphore_mem>>)
    %dma_start3A_38 = arith.constant 2 : i32
    %dma_start3A_39 = arith.constant 2 : i32
    %dma_start3A_40 = arith.constant 0 : i32
    %dma_start3A_41 = arith.constant 0 : i32
    %dma_start3A_42 = tpu.memref_slice %arg6[%dma_start3A_39, %dma_start3A_40, %dma_start3A_41] : memref<4x128x128xf32, #tpu.memory_space<vmem>> -> memref<1x128x128xf32, #tpu.memory_space<vmem>>
    %dma_start3A_43 = tpu.memref_squeeze %dma_start3A_42 : memref<1x128x128xf32, #tpu.memory_space<vmem>> -> memref<128x128xf32, #tpu.memory_space<vmem>>
    %dma_start3A_44 = arith.constant 0 : i32
    %dma_start3A_45 = tpu.memref_slice %arg5[%dma_start3A_38, %dma_start3A_44] : memref<200x128xi32, #tpu.memory_space<vmem>> -> memref<1x128xi32, #tpu.memory_space<vmem>>
    %dma_start3A_46 = tpu.memref_squeeze %dma_start3A_45 : memref<1x128xi32, #tpu.memory_space<vmem>> -> memref<128xi32, #tpu.memory_space<vmem>>
    %dma_start3A_47 = arith.constant 0 : i32
    %dma_start3A_48 = arith.constant 0 : i32
    %dma_start3A_49 = tpu.memref_slice %arg3[%dma_start3A_47, %dma_start3A_48] : memref<1000000x128xf32, #tpu.memory_space<hbm>> -> memref<1000000x128xf32, #tpu.memory_space<hbm>>
    tpu.enqueue_indirect_dma source(%dma_start3A_49 : memref<1000000x128xf32, #tpu.memory_space<hbm>>) target(%dma_start3A_43 : memref<128x128xf32, #tpu.memory_space<vmem>>) offsets(%dma_start3A_46 : memref<128xi32, #tpu.memory_space<vmem>>) semaphore(%arg10 : memref<!tpu.dma_semaphore, #tpu.memory_space<semaphore_mem>>)
    %dma_start3A_50 = arith.constant 3 : i32
    %dma_start3A_51 = arith.constant 3 : i32
    %dma_start3A_52 = arith.constant 0 : i32
    %dma_start3A_53 = arith.constant 0 : i32
    %dma_start3A_54 = tpu.memref_slice %arg6[%dma_start3A_51, %dma_start3A_52, %dma_start3A_53] : memref<4x128x128xf32, #tpu.memory_space<vmem>> -> memref<1x128x128xf32, #tpu.memory_space<vmem>>
    %dma_start3A_55 = tpu.memref_squeeze %dma_start3A_54 : memref<1x128x128xf32, #tpu.memory_space<vmem>> -> memref<128x128xf32, #tpu.memory_space<vmem>>
    %dma_start3A_56 = arith.constant 0 : i32
    %dma_start3A_57 = tpu.memref_slice %arg5[%dma_start3A_50, %dma_start3A_56] : memref<200x128xi32, #tpu.memory_space<vmem>> -> memref<1x128xi32, #tpu.memory_space<vmem>>
    %dma_start3A_58 = tpu.memref_squeeze %dma_start3A_57 : memref<1x128xi32, #tpu.memory_space<vmem>> -> memref<128xi32, #tpu.memory_space<vmem>>
    %dma_start3A_59 = arith.constant 0 : i32
    %dma_start3A_60 = arith.constant 0 : i32
    %dma_start3A_61 = tpu.memref_slice %arg3[%dma_start3A_59, %dma_start3A_60] : memref<1000000x128xf32, #tpu.memory_space<hbm>> -> memref<1000000x128xf32, #tpu.memory_space<hbm>>
    tpu.enqueue_indirect_dma source(%dma_start3A_61 : memref<1000000x128xf32, #tpu.memory_space<hbm>>) target(%dma_start3A_55 : memref<128x128xf32, #tpu.memory_space<vmem>>) offsets(%dma_start3A_58 : memref<128xi32, #tpu.memory_space<vmem>>) semaphore(%arg11 : memref<!tpu.dma_semaphore, #tpu.memory_space<semaphore_mem>>)
    %scan3A = arith.constant 0 : i32
    %scan3A_62 = arith.constant 0 : i32
    %scan3A_63 = arith.constant 50 : i32
    %scan3A_64 = arith.addi %scan3A_62, %scan3A_63 : i32
    %scan3A_65 = arith.constant 1 : i32
    scf.for %scan3A_98 = %scan3A_62 to %scan3A_64 step %scan3A_65  : i32 {
      %mul3A_99 = arith.constant 4 : i32
      %mul3A_100 = arith.muli %scan3A_98, %mul3A_99 : i32
      %add3A_101 = arith.constant 0 : i32
      %add3A_102 = arith.addi %mul3A_100, %add3A_101 : i32
      %dma_wait3A_103 = arith.constant 0 : i32
      %dma_wait3A_104 = arith.constant 0 : i32
      %dma_wait3A_105 = arith.constant 0 : i32
      %dma_wait3A_106 = tpu.memref_slice %arg6[%dma_wait3A_103, %dma_wait3A_104, %dma_wait3A_105] : memref<4x128x128xf32, #tpu.memory_space<vmem>> -> memref<1x128x128xf32, #tpu.memory_space<vmem>>
      %dma_wait3A_107 = tpu.memref_squeeze %dma_wait3A_106 : memref<1x128x128xf32, #tpu.memory_space<vmem>> -> memref<128x128xf32, #tpu.memory_space<vmem>>
      %dma_wait3A_108 = arith.constant 0 : i32
      %dma_wait3A_109 = tpu.memref_slice %arg5[%add3A_102, %dma_wait3A_108] : memref<200x128xi32, #tpu.memory_space<vmem>> -> memref<1x128xi32, #tpu.memory_space<vmem>>
      %dma_wait3A_110 = tpu.memref_squeeze %dma_wait3A_109 : memref<1x128xi32, #tpu.memory_space<vmem>> -> memref<128xi32, #tpu.memory_space<vmem>>
      %dma_wait3A_111 = arith.constant 0 : i32
      %dma_wait3A_112 = arith.constant 0 : i32
      %dma_wait3A_113 = tpu.memref_slice %arg3[%dma_wait3A_111, %dma_wait3A_112] : memref<1000000x128xf32, #tpu.memory_space<hbm>> -> memref<1000000x128xf32, #tpu.memory_space<hbm>>
      tpu.wait_indirect_dma semaphore(%arg8 : memref<!tpu.dma_semaphore, #tpu.memory_space<semaphore_mem>>) src(%dma_wait3A_113 : memref<1000000x128xf32, #tpu.memory_space<hbm>>) dst(%dma_wait3A_107 : memref<128x128xf32, #tpu.memory_space<vmem>>)
      %ge3A = arith.constant 2 : i32
      %ge3A_114 = arith.cmpi sge, %add3A_102, %ge3A : i32
      %convert_element_type3A = arith.extui %ge3A_114 : i1 to i32
      %cond3A = arith.constant 0 : i32
      %cond3A_115 = arith.cmpi ne, %convert_element_type3A, %cond3A : i32
      scf.if %cond3A_115 {
        %sub3A = arith.constant 2 : i32
        %sub3A_266 = arith.subi %add3A_102, %sub3A : i32
        %dma_wait3A_267 = arith.constant 0 : i32
        %dma_wait3A_268 = arith.constant 0 : i32
        %dma_wait3A_269 = arith.constant 0 : i32
        %dma_wait3A_270 = tpu.memref_slice %arg7[%dma_wait3A_267, %dma_wait3A_268, %dma_wait3A_269] : memref<2x64x128xf32, #tpu.memory_space<vmem>> -> memref<1x64x128xf32, #tpu.memory_space<vmem>>
        %dma_wait3A_271 = tpu.memref_squeeze %dma_wait3A_270 : memref<1x64x128xf32, #tpu.memory_space<vmem>> -> memref<64x128xf32, #tpu.memory_space<vmem>>
        %dma_wait3A_272 = arith.constant 0 : i32
        %dma_wait3A_273 = tpu.memref_slice %arg4[%sub3A_266, %dma_wait3A_272, %mul3A_2] : memref<200x64x4096xf32, #tpu.memory_space<hbm>> -> memref<1x64x128xf32, #tpu.memory_space<hbm>>
        %dma_wait3A_274 = tpu.memref_squeeze %dma_wait3A_273 : memref<1x64x128xf32, #tpu.memory_space<hbm>> -> memref<64x128xf32, #tpu.memory_space<hbm>>
        %dma_wait3A_275 = arith.constant 0 : i32
        %dma_wait3A_276 = tpu.memref_slice %arg4[%sub3A_266, %dma_wait3A_275, %mul3A_2] : memref<200x64x4096xf32, #tpu.memory_space<hbm>> -> memref<1x64x128xf32, #tpu.memory_space<hbm>>
        %dma_wait3A_277 = tpu.memref_squeeze %dma_wait3A_276 : memref<1x64x128xf32, #tpu.memory_space<hbm>> -> memref<64x128xf32, #tpu.memory_space<hbm>>
        %dma_wait3A_278 = arith.constant 0 : i32
        %dma_wait3A_279 = arith.constant 0 : i32
        %dma_wait3A_280 = tpu.memref_slice %arg7[%dma_wait3A_267, %dma_wait3A_278, %dma_wait3A_279] : memref<2x64x128xf32, #tpu.memory_space<vmem>> -> memref<1x64x128xf32, #tpu.memory_space<vmem>>
        %dma_wait3A_281 = tpu.memref_squeeze %dma_wait3A_280 : memref<1x64x128xf32, #tpu.memory_space<vmem>> -> memref<64x128xf32, #tpu.memory_space<vmem>>
        tpu.wait_dma2 semaphore(%arg12 : memref<!tpu.dma_semaphore, #tpu.memory_space<semaphore_mem>>) src(%dma_wait3A_281 : memref<64x128xf32, #tpu.memory_space<vmem>>) dst(%dma_wait3A_277 : memref<64x128xf32, #tpu.memory_space<hbm>>)
      } else {
      }
      %parallel_loop3A = arith.constant 0 : i32
      %parallel_loop3A_116 = arith.constant 128 : i32
      %parallel_loop3A_117 = arith.constant 1 : i32
      scf.for %parallel_loop3A_266 = %parallel_loop3A to %parallel_loop3A_116 step %parallel_loop3A_117  : i32 {
        %parallel_loop3A_267 = arith.constant 0 : i32
        %parallel_loop3A_268 = vector.broadcast %parallel_loop3A_267 : i32 to vector<16xi32>
        %parallel_loop3A_269 = vector.broadcast %parallel_loop3A_266 : i32 to vector<16xi32>
        %parallel_loop3A_270 = arith.addi %parallel_loop3A_268, %parallel_loop3A_269 : vector<16xi32>
        %parallel_loop3A_271 = arith.constant 0 : i32
        %parallel_loop3A_272 = arith.index_cast %parallel_loop3A_271 : i32 to index
        %parallel_loop3A_273 = arith.index_cast %parallel_loop3A_266 : i32 to index
        %parallel_loop3A_274 = arith.constant 0 : index
        %parallel_loop3A_275 = tpu.vector_load %arg6[%parallel_loop3A_272, %parallel_loop3A_273, %parallel_loop3A_274] {strides = array<i32>} : memref<4x128x128xf32, #tpu.memory_space<vmem>>, vector<16xf32>,
        %parallel_loop3A_276 = arith.constant 8.000000e+00 : f32
        %parallel_loop3A_277 = vector.broadcast %parallel_loop3A_276 : f32 to vector<16xf32>
        %parallel_loop3A_278 = arith.mulf %parallel_loop3A_275, %parallel_loop3A_277 : vector<16xf32>
        %parallel_loop3A_279 = arith.constant 0 : i32
        %parallel_loop3A_280 = arith.constant 0 : i32
        %parallel_loop3A_281 = arith.constant 0 : i32
        %parallel_loop3A_282 = tpu.memref_slice %arg7[%parallel_loop3A_279, %parallel_loop3A_280, %parallel_loop3A_281] : memref<2x64x128xf32, #tpu.memory_space<vmem>> -> memref<1x64x128xf32, #tpu.memory_space<vmem>>
        %parallel_loop3A_283 = tpu.memref_squeeze %parallel_loop3A_282 : memref<1x64x128xf32, #tpu.memory_space<vmem>> -> memref<64x128xf32, #tpu.memory_space<vmem>>
        tpu.vector_store_idx %parallel_loop3A_283[%add3A_5, %parallel_loop3A_270], %parallel_loop3A_278 : memref<64x128xf32, #tpu.memory_space<vmem>>[vector<16xi32>, vector<16xi32>], vector<16xf32>,
        %parallel_loop3A_284 = arith.constant 0 : i32
        %parallel_loop3A_285 = arith.index_cast %parallel_loop3A_284 : i32 to index
        %parallel_loop3A_286 = arith.index_cast %parallel_loop3A_266 : i32 to index
        %parallel_loop3A_287 = arith.constant 16 : index
        %parallel_loop3A_288 = tpu.vector_load %arg6[%parallel_loop3A_285, %parallel_loop3A_286, %parallel_loop3A_287] {strides = array<i32>} : memref<4x128x128xf32, #tpu.memory_space<vmem>>, vector<16xf32>,
        %parallel_loop3A_289 = arith.constant 8.000000e+00 : f32
        %parallel_loop3A_290 = vector.broadcast %parallel_loop3A_289 : f32 to vector<16xf32>
        %parallel_loop3A_291 = arith.mulf %parallel_loop3A_288, %parallel_loop3A_290 : vector<16xf32>
        %parallel_loop3A_292 = arith.constant 0 : i32
        %parallel_loop3A_293 = arith.constant 0 : i32
        %parallel_loop3A_294 = arith.constant 0 : i32
        %parallel_loop3A_295 = tpu.memref_slice %arg7[%parallel_loop3A_292, %parallel_loop3A_293, %parallel_loop3A_294] : memref<2x64x128xf32, #tpu.memory_space<vmem>> -> memref<1x64x128xf32, #tpu.memory_space<vmem>>
        %parallel_loop3A_296 = tpu.memref_squeeze %parallel_loop3A_295 : memref<1x64x128xf32, #tpu.memory_space<vmem>> -> memref<64x128xf32, #tpu.memory_space<vmem>>
        tpu.vector_store_idx %parallel_loop3A_296[%add3A_8, %parallel_loop3A_270], %parallel_loop3A_291 : memref<64x128xf32, #tpu.memory_space<vmem>>[vector<16xi32>, vector<16xi32>], vector<16xf32>,
        %parallel_loop3A_297 = arith.constant 0 : i32
        %parallel_loop3A_298 = arith.index_cast %parallel_loop3A_297 : i32 to index
        %parallel_loop3A_299 = arith.index_cast %parallel_loop3A_266 : i32 to index
        %parallel_loop3A_300 = arith.constant 32 : index
        %parallel_loop3A_301 = tpu.vector_load %arg6[%parallel_loop3A_298, %parallel_loop3A_299, %parallel_loop3A_300] {strides = array<i32>} : memref<4x128x128xf32, #tpu.memory_space<vmem>>, vector<16xf32>,
        %parallel_loop3A_302 = arith.constant 8.000000e+00 : f32
        %parallel_loop3A_303 = vector.broadcast %parallel_loop3A_302 : f32 to vector<16xf32>
        %parallel_loop3A_304 = arith.mulf %parallel_loop3A_301, %parallel_loop3A_303 : vector<16xf32>
        %parallel_loop3A_305 = arith.constant 0 : i32
        %parallel_loop3A_306 = arith.constant 0 : i32
        %parallel_loop3A_307 = arith.constant 0 : i32
        %parallel_loop3A_308 = tpu.memref_slice %arg7[%parallel_loop3A_305, %parallel_loop3A_306, %parallel_loop3A_307] : memref<2x64x128xf32, #tpu.memory_space<vmem>> -> memref<1x64x128xf32, #tpu.memory_space<vmem>>
        %parallel_loop3A_309 = tpu.memref_squeeze %parallel_loop3A_308 : memref<1x64x128xf32, #tpu.memory_space<vmem>> -> memref<64x128xf32, #tpu.memory_space<vmem>>
        tpu.vector_store_idx %parallel_loop3A_309[%add3A_11, %parallel_loop3A_270], %parallel_loop3A_304 : memref<64x128xf32, #tpu.memory_space<vmem>>[vector<16xi32>, vector<16xi32>], vector<16xf32>,
        %parallel_loop3A_310 = arith.constant 0 : i32
        %parallel_loop3A_311 = arith.index_cast %parallel_loop3A_310 : i32 to index
        %parallel_loop3A_312 = arith.index_cast %parallel_loop3A_266 : i32 to index
        %parallel_loop3A_313 = arith.constant 48 : index
        %parallel_loop3A_314 = tpu.vector_load %arg6[%parallel_loop3A_311, %parallel_loop3A_312, %parallel_loop3A_313] {strides = array<i32>} : memref<4x128x128xf32, #tpu.memory_space<vmem>>, vector<16xf32>,
        %parallel_loop3A_315 = arith.constant 8.000000e+00 : f32
        %parallel_loop3A_316 = vector.broadcast %parallel_loop3A_315 : f32 to vector<16xf32>
        %parallel_loop3A_317 = arith.mulf %parallel_loop3A_314, %parallel_loop3A_316 : vector<16xf32>
        %parallel_loop3A_318 = arith.constant 0 : i32
        %parallel_loop3A_319 = arith.constant 0 : i32
        %parallel_loop3A_320 = arith.constant 0 : i32
        %parallel_loop3A_321 = tpu.memref_slice %arg7[%parallel_loop3A_318, %parallel_loop3A_319, %parallel_loop3A_320] : memref<2x64x128xf32, #tpu.memory_space<vmem>> -> memref<1x64x128xf32, #tpu.memory_space<vmem>>
        %parallel_loop3A_322 = tpu.memref_squeeze %parallel_loop3A_321 : memref<1x64x128xf32, #tpu.memory_space<vmem>> -> memref<64x128xf32, #tpu.memory_space<vmem>>
        tpu.vector_store_idx %parallel_loop3A_322[%add3A_14, %parallel_loop3A_270], %parallel_loop3A_317 : memref<64x128xf32, #tpu.memory_space<vmem>>[vector<16xi32>, vector<16xi32>], vector<16xf32>,
      } {sc.loop_unroll_factor = 4 : i64, sc.parallel_access}
      %dma_start3A_118 = arith.constant 0 : i32
      %dma_start3A_119 = arith.constant 0 : i32
      %dma_start3A_120 = arith.constant 0 : i32
      %dma_start3A_121 = tpu.memref_slice %arg7[%dma_start3A_118, %dma_start3A_119, %dma_start3A_120] : memref<2x64x128xf32, #tpu.memory_space<vmem>> -> memref<1x64x128xf32, #tpu.memory_space<vmem>>
      %dma_start3A_122 = tpu.memref_squeeze %dma_start3A_121 : memref<1x64x128xf32, #tpu.memory_space<vmem>> -> memref<64x128xf32, #tpu.memory_space<vmem>>
      %dma_start3A_123 = arith.constant 0 : i32
      %dma_start3A_124 = tpu.memref_slice %arg4[%add3A_102, %dma_start3A_123, %mul3A_2] : memref<200x64x4096xf32, #tpu.memory_space<hbm>> -> memref<1x64x128xf32, #tpu.memory_space<hbm>>
      %dma_start3A_125 = tpu.memref_squeeze %dma_start3A_124 : memref<1x64x128xf32, #tpu.memory_space<hbm>> -> memref<64x128xf32, #tpu.memory_space<hbm>>
      %dma_start3A_126 = arith.constant 0 : i32
      %dma_start3A_127 = tpu.memref_slice %arg4[%add3A_102, %dma_start3A_126, %mul3A_2] : memref<200x64x4096xf32, #tpu.memory_space<hbm>> -> memref<1x64x128xf32, #tpu.memory_space<hbm>>
      %dma_start3A_128 = tpu.memref_squeeze %dma_start3A_127 : memref<1x64x128xf32, #tpu.memory_space<hbm>> -> memref<64x128xf32, #tpu.memory_space<hbm>>
      %dma_start3A_129 = arith.constant 0 : i32
      %dma_start3A_130 = arith.constant 0 : i32
      %dma_start3A_131 = tpu.memref_slice %arg7[%dma_start3A_118, %dma_start3A_129, %dma_start3A_130] : memref<2x64x128xf32, #tpu.memory_space<vmem>> -> memref<1x64x128xf32, #tpu.memory_space<vmem>>
      %dma_start3A_132 = tpu.memref_squeeze %dma_start3A_131 : memref<1x64x128xf32, #tpu.memory_space<vmem>> -> memref<64x128xf32, #tpu.memory_space<vmem>>
      tpu.enqueue_dma source(%dma_start3A_132 : memref<64x128xf32, #tpu.memory_space<vmem>>) target(%dma_start3A_128 : memref<64x128xf32, #tpu.memory_space<hbm>>) target_semaphore(%arg12 : memref<!tpu.dma_semaphore, #tpu.memory_space<semaphore_mem>>)
      %lt3A = arith.constant 49 : i32
      %lt3A_133 = arith.cmpi slt, %scan3A_98, %lt3A : i32
      %convert_element_type3A_134 = arith.extui %lt3A_133 : i1 to i32
      %cond3A_135 = arith.constant 0 : i32
      %cond3A_136 = arith.cmpi ne, %convert_element_type3A_134, %cond3A_135 : i32
      scf.if %cond3A_136 {
        %add3A_266 = arith.constant 4 : i32
        %add3A_267 = arith.addi %add3A_102, %add3A_266 : i32
        %dma_start3A_268 = arith.constant 0 : i32
        %dma_start3A_269 = arith.constant 0 : i32
        %dma_start3A_270 = arith.constant 0 : i32
        %dma_start3A_271 = tpu.memref_slice %arg6[%dma_start3A_268, %dma_start3A_269, %dma_start3A_270] : memref<4x128x128xf32, #tpu.memory_space<vmem>> -> memref<1x128x128xf32, #tpu.memory_space<vmem>>
        %dma_start3A_272 = tpu.memref_squeeze %dma_start3A_271 : memref<1x128x128xf32, #tpu.memory_space<vmem>> -> memref<128x128xf32, #tpu.memory_space<vmem>>
        %dma_start3A_273 = arith.constant 0 : i32
        %dma_start3A_274 = tpu.memref_slice %arg5[%add3A_267, %dma_start3A_273] : memref<200x128xi32, #tpu.memory_space<vmem>> -> memref<1x128xi32, #tpu.memory_space<vmem>>
        %dma_start3A_275 = tpu.memref_squeeze %dma_start3A_274 : memref<1x128xi32, #tpu.memory_space<vmem>> -> memref<128xi32, #tpu.memory_space<vmem>>
        %dma_start3A_276 = arith.constant 0 : i32
        %dma_start3A_277 = arith.constant 0 : i32
        %dma_start3A_278 = tpu.memref_slice %arg3[%dma_start3A_276, %dma_start3A_277] : memref<1000000x128xf32, #tpu.memory_space<hbm>> -> memref<1000000x128xf32, #tpu.memory_space<hbm>>
        tpu.enqueue_indirect_dma source(%dma_start3A_278 : memref<1000000x128xf32, #tpu.memory_space<hbm>>) target(%dma_start3A_272 : memref<128x128xf32, #tpu.memory_space<vmem>>) offsets(%dma_start3A_275 : memref<128xi32, #tpu.memory_space<vmem>>) semaphore(%arg8 : memref<!tpu.dma_semaphore, #tpu.memory_space<semaphore_mem>>)
      } else {
      }
      %mul3A_137 = arith.constant 4 : i32
      %mul3A_138 = arith.muli %scan3A_98, %mul3A_137 : i32
      %add3A_139 = arith.constant 1 : i32
      %add3A_140 = arith.addi %mul3A_138, %add3A_139 : i32
      %dma_wait3A_141 = arith.constant 1 : i32
      %dma_wait3A_142 = arith.constant 0 : i32
      %dma_wait3A_143 = arith.constant 0 : i32
      %dma_wait3A_144 = tpu.memref_slice %arg6[%dma_wait3A_141, %dma_wait3A_142, %dma_wait3A_143] : memref<4x128x128xf32, #tpu.memory_space<vmem>> -> memref<1x128x128xf32, #tpu.memory_space<vmem>>
      %dma_wait3A_145 = tpu.memref_squeeze %dma_wait3A_144 : memref<1x128x128xf32, #tpu.memory_space<vmem>> -> memref<128x128xf32, #tpu.memory_space<vmem>>
      %dma_wait3A_146 = arith.constant 0 : i32
      %dma_wait3A_147 = tpu.memref_slice %arg5[%add3A_140, %dma_wait3A_146] : memref<200x128xi32, #tpu.memory_space<vmem>> -> memref<1x128xi32, #tpu.memory_space<vmem>>
      %dma_wait3A_148 = tpu.memref_squeeze %dma_wait3A_147 : memref<1x128xi32, #tpu.memory_space<vmem>> -> memref<128xi32, #tpu.memory_space<vmem>>
      %dma_wait3A_149 = arith.constant 0 : i32
      %dma_wait3A_150 = arith.constant 0 : i32
      %dma_wait3A_151 = tpu.memref_slice %arg3[%dma_wait3A_149, %dma_wait3A_150] : memref<1000000x128xf32, #tpu.memory_space<hbm>> -> memref<1000000x128xf32, #tpu.memory_space<hbm>>
      tpu.wait_indirect_dma semaphore(%arg9 : memref<!tpu.dma_semaphore, #tpu.memory_space<semaphore_mem>>) src(%dma_wait3A_151 : memref<1000000x128xf32, #tpu.memory_space<hbm>>) dst(%dma_wait3A_145 : memref<128x128xf32, #tpu.memory_space<vmem>>)
      %ge3A_152 = arith.constant 2 : i32
      %ge3A_153 = arith.cmpi sge, %add3A_140, %ge3A_152 : i32
      %convert_element_type3A_154 = arith.extui %ge3A_153 : i1 to i32
      %cond3A_155 = arith.constant 0 : i32
      %cond3A_156 = arith.cmpi ne, %convert_element_type3A_154, %cond3A_155 : i32
      scf.if %cond3A_156 {
        %sub3A = arith.constant 2 : i32
        %sub3A_266 = arith.subi %add3A_140, %sub3A : i32
        %dma_wait3A_267 = arith.constant 1 : i32
        %dma_wait3A_268 = arith.constant 0 : i32
        %dma_wait3A_269 = arith.constant 0 : i32
        %dma_wait3A_270 = tpu.memref_slice %arg7[%dma_wait3A_267, %dma_wait3A_268, %dma_wait3A_269] : memref<2x64x128xf32, #tpu.memory_space<vmem>> -> memref<1x64x128xf32, #tpu.memory_space<vmem>>
        %dma_wait3A_271 = tpu.memref_squeeze %dma_wait3A_270 : memref<1x64x128xf32, #tpu.memory_space<vmem>> -> memref<64x128xf32, #tpu.memory_space<vmem>>
        %dma_wait3A_272 = arith.constant 0 : i32
        %dma_wait3A_273 = tpu.memref_slice %arg4[%sub3A_266, %dma_wait3A_272, %mul3A_2] : memref<200x64x4096xf32, #tpu.memory_space<hbm>> -> memref<1x64x128xf32, #tpu.memory_space<hbm>>
        %dma_wait3A_274 = tpu.memref_squeeze %dma_wait3A_273 : memref<1x64x128xf32, #tpu.memory_space<hbm>> -> memref<64x128xf32, #tpu.memory_space<hbm>>
        %dma_wait3A_275 = arith.constant 0 : i32
        %dma_wait3A_276 = tpu.memref_slice %arg4[%sub3A_266, %dma_wait3A_275, %mul3A_2] : memref<200x64x4096xf32, #tpu.memory_space<hbm>> -> memref<1x64x128xf32, #tpu.memory_space<hbm>>
        %dma_wait3A_277 = tpu.memref_squeeze %dma_wait3A_276 : memref<1x64x128xf32, #tpu.memory_space<hbm>> -> memref<64x128xf32, #tpu.memory_space<hbm>>
        %dma_wait3A_278 = arith.constant 0 : i32
        %dma_wait3A_279 = arith.constant 0 : i32
        %dma_wait3A_280 = tpu.memref_slice %arg7[%dma_wait3A_267, %dma_wait3A_278, %dma_wait3A_279] : memref<2x64x128xf32, #tpu.memory_space<vmem>> -> memref<1x64x128xf32, #tpu.memory_space<vmem>>
        %dma_wait3A_281 = tpu.memref_squeeze %dma_wait3A_280 : memref<1x64x128xf32, #tpu.memory_space<vmem>> -> memref<64x128xf32, #tpu.memory_space<vmem>>
        tpu.wait_dma2 semaphore(%arg13 : memref<!tpu.dma_semaphore, #tpu.memory_space<semaphore_mem>>) src(%dma_wait3A_281 : memref<64x128xf32, #tpu.memory_space<vmem>>) dst(%dma_wait3A_277 : memref<64x128xf32, #tpu.memory_space<hbm>>)
      } else {
      }
      %parallel_loop3A_157 = arith.constant 0 : i32
      %parallel_loop3A_158 = arith.constant 128 : i32
      %parallel_loop3A_159 = arith.constant 1 : i32
      scf.for %parallel_loop3A_266 = %parallel_loop3A_157 to %parallel_loop3A_158 step %parallel_loop3A_159  : i32 {
        %parallel_loop3A_267 = arith.constant 0 : i32
        %parallel_loop3A_268 = vector.broadcast %parallel_loop3A_267 : i32 to vector<16xi32>
        %parallel_loop3A_269 = vector.broadcast %parallel_loop3A_266 : i32 to vector<16xi32>
        %parallel_loop3A_270 = arith.addi %parallel_loop3A_268, %parallel_loop3A_269 : vector<16xi32>
        %parallel_loop3A_271 = arith.constant 1 : i32
        %parallel_loop3A_272 = arith.index_cast %parallel_loop3A_271 : i32 to index
        %parallel_loop3A_273 = arith.index_cast %parallel_loop3A_266 : i32 to index
        %parallel_loop3A_274 = arith.constant 0 : index
        %parallel_loop3A_275 = tpu.vector_load %arg6[%parallel_loop3A_272, %parallel_loop3A_273, %parallel_loop3A_274] {strides = array<i32>} : memref<4x128x128xf32, #tpu.memory_space<vmem>>, vector<16xf32>,
        %parallel_loop3A_276 = arith.constant 8.000000e+00 : f32
        %parallel_loop3A_277 = vector.broadcast %parallel_loop3A_276 : f32 to vector<16xf32>
        %parallel_loop3A_278 = arith.mulf %parallel_loop3A_275, %parallel_loop3A_277 : vector<16xf32>
        %parallel_loop3A_279 = arith.constant 1 : i32
        %parallel_loop3A_280 = arith.constant 0 : i32
        %parallel_loop3A_281 = arith.constant 0 : i32
        %parallel_loop3A_282 = tpu.memref_slice %arg7[%parallel_loop3A_279, %parallel_loop3A_280, %parallel_loop3A_281] : memref<2x64x128xf32, #tpu.memory_space<vmem>> -> memref<1x64x128xf32, #tpu.memory_space<vmem>>
        %parallel_loop3A_283 = tpu.memref_squeeze %parallel_loop3A_282 : memref<1x64x128xf32, #tpu.memory_space<vmem>> -> memref<64x128xf32, #tpu.memory_space<vmem>>
        tpu.vector_store_idx %parallel_loop3A_283[%add3A_5, %parallel_loop3A_270], %parallel_loop3A_278 : memref<64x128xf32, #tpu.memory_space<vmem>>[vector<16xi32>, vector<16xi32>], vector<16xf32>,
        %parallel_loop3A_284 = arith.constant 1 : i32
        %parallel_loop3A_285 = arith.index_cast %parallel_loop3A_284 : i32 to index
        %parallel_loop3A_286 = arith.index_cast %parallel_loop3A_266 : i32 to index
        %parallel_loop3A_287 = arith.constant 16 : index
        %parallel_loop3A_288 = tpu.vector_load %arg6[%parallel_loop3A_285, %parallel_loop3A_286, %parallel_loop3A_287] {strides = array<i32>} : memref<4x128x128xf32, #tpu.memory_space<vmem>>, vector<16xf32>,
        %parallel_loop3A_289 = arith.constant 8.000000e+00 : f32
        %parallel_loop3A_290 = vector.broadcast %parallel_loop3A_289 : f32 to vector<16xf32>
        %parallel_loop3A_291 = arith.mulf %parallel_loop3A_288, %parallel_loop3A_290 : vector<16xf32>
        %parallel_loop3A_292 = arith.constant 1 : i32
        %parallel_loop3A_293 = arith.constant 0 : i32
        %parallel_loop3A_294 = arith.constant 0 : i32
        %parallel_loop3A_295 = tpu.memref_slice %arg7[%parallel_loop3A_292, %parallel_loop3A_293, %parallel_loop3A_294] : memref<2x64x128xf32, #tpu.memory_space<vmem>> -> memref<1x64x128xf32, #tpu.memory_space<vmem>>
        %parallel_loop3A_296 = tpu.memref_squeeze %parallel_loop3A_295 : memref<1x64x128xf32, #tpu.memory_space<vmem>> -> memref<64x128xf32, #tpu.memory_space<vmem>>
        tpu.vector_store_idx %parallel_loop3A_296[%add3A_8, %parallel_loop3A_270], %parallel_loop3A_291 : memref<64x128xf32, #tpu.memory_space<vmem>>[vector<16xi32>, vector<16xi32>], vector<16xf32>,
        %parallel_loop3A_297 = arith.constant 1 : i32
        %parallel_loop3A_298 = arith.index_cast %parallel_loop3A_297 : i32 to index
        %parallel_loop3A_299 = arith.index_cast %parallel_loop3A_266 : i32 to index
        %parallel_loop3A_300 = arith.constant 32 : index
        %parallel_loop3A_301 = tpu.vector_load %arg6[%parallel_loop3A_298, %parallel_loop3A_299, %parallel_loop3A_300] {strides = array<i32>} : memref<4x128x128xf32, #tpu.memory_space<vmem>>, vector<16xf32>,
        %parallel_loop3A_302 = arith.constant 8.000000e+00 : f32
        %parallel_loop3A_303 = vector.broadcast %parallel_loop3A_302 : f32 to vector<16xf32>
        %parallel_loop3A_304 = arith.mulf %parallel_loop3A_301, %parallel_loop3A_303 : vector<16xf32>
        %parallel_loop3A_305 = arith.constant 1 : i32
        %parallel_loop3A_306 = arith.constant 0 : i32
        %parallel_loop3A_307 = arith.constant 0 : i32
        %parallel_loop3A_308 = tpu.memref_slice %arg7[%parallel_loop3A_305, %parallel_loop3A_306, %parallel_loop3A_307] : memref<2x64x128xf32, #tpu.memory_space<vmem>> -> memref<1x64x128xf32, #tpu.memory_space<vmem>>
        %parallel_loop3A_309 = tpu.memref_squeeze %parallel_loop3A_308 : memref<1x64x128xf32, #tpu.memory_space<vmem>> -> memref<64x128xf32, #tpu.memory_space<vmem>>
        tpu.vector_store_idx %parallel_loop3A_309[%add3A_11, %parallel_loop3A_270], %parallel_loop3A_304 : memref<64x128xf32, #tpu.memory_space<vmem>>[vector<16xi32>, vector<16xi32>], vector<16xf32>,
        %parallel_loop3A_310 = arith.constant 1 : i32
        %parallel_loop3A_311 = arith.index_cast %parallel_loop3A_310 : i32 to index
        %parallel_loop3A_312 = arith.index_cast %parallel_loop3A_266 : i32 to index
        %parallel_loop3A_313 = arith.constant 48 : index
        %parallel_loop3A_314 = tpu.vector_load %arg6[%parallel_loop3A_311, %parallel_loop3A_312, %parallel_loop3A_313] {strides = array<i32>} : memref<4x128x128xf32, #tpu.memory_space<vmem>>, vector<16xf32>,
        %parallel_loop3A_315 = arith.constant 8.000000e+00 : f32
        %parallel_loop3A_316 = vector.broadcast %parallel_loop3A_315 : f32 to vector<16xf32>
        %parallel_loop3A_317 = arith.mulf %parallel_loop3A_314, %parallel_loop3A_316 : vector<16xf32>
        %parallel_loop3A_318 = arith.constant 1 : i32
        %parallel_loop3A_319 = arith.constant 0 : i32
        %parallel_loop3A_320 = arith.constant 0 : i32
        %parallel_loop3A_321 = tpu.memref_slice %arg7[%parallel_loop3A_318, %parallel_loop3A_319, %parallel_loop3A_320] : memref<2x64x128xf32, #tpu.memory_space<vmem>> -> memref<1x64x128xf32, #tpu.memory_space<vmem>>
        %parallel_loop3A_322 = tpu.memref_squeeze %parallel_loop3A_321 : memref<1x64x128xf32, #tpu.memory_space<vmem>> -> memref<64x128xf32, #tpu.memory_space<vmem>>
        tpu.vector_store_idx %parallel_loop3A_322[%add3A_14, %parallel_loop3A_270], %parallel_loop3A_317 : memref<64x128xf32, #tpu.memory_space<vmem>>[vector<16xi32>, vector<16xi32>], vector<16xf32>,
      } {sc.loop_unroll_factor = 4 : i64, sc.parallel_access}
      %dma_start3A_160 = arith.constant 1 : i32
      %dma_start3A_161 = arith.constant 0 : i32
      %dma_start3A_162 = arith.constant 0 : i32
      %dma_start3A_163 = tpu.memref_slice %arg7[%dma_start3A_160, %dma_start3A_161, %dma_start3A_162] : memref<2x64x128xf32, #tpu.memory_space<vmem>> -> memref<1x64x128xf32, #tpu.memory_space<vmem>>
      %dma_start3A_164 = tpu.memref_squeeze %dma_start3A_163 : memref<1x64x128xf32, #tpu.memory_space<vmem>> -> memref<64x128xf32, #tpu.memory_space<vmem>>
      %dma_start3A_165 = arith.constant 0 : i32
      %dma_start3A_166 = tpu.memref_slice %arg4[%add3A_140, %dma_start3A_165, %mul3A_2] : memref<200x64x4096xf32, #tpu.memory_space<hbm>> -> memref<1x64x128xf32, #tpu.memory_space<hbm>>
      %dma_start3A_167 = tpu.memref_squeeze %dma_start3A_166 : memref<1x64x128xf32, #tpu.memory_space<hbm>> -> memref<64x128xf32, #tpu.memory_space<hbm>>
      %dma_start3A_168 = arith.constant 0 : i32
      %dma_start3A_169 = tpu.memref_slice %arg4[%add3A_140, %dma_start3A_168, %mul3A_2] : memref<200x64x4096xf32, #tpu.memory_space<hbm>> -> memref<1x64x128xf32, #tpu.memory_space<hbm>>
      %dma_start3A_170 = tpu.memref_squeeze %dma_start3A_169 : memref<1x64x128xf32, #tpu.memory_space<hbm>> -> memref<64x128xf32, #tpu.memory_space<hbm>>
      %dma_start3A_171 = arith.constant 0 : i32
      %dma_start3A_172 = arith.constant 0 : i32
      %dma_start3A_173 = tpu.memref_slice %arg7[%dma_start3A_160, %dma_start3A_171, %dma_start3A_172] : memref<2x64x128xf32, #tpu.memory_space<vmem>> -> memref<1x64x128xf32, #tpu.memory_space<vmem>>
      %dma_start3A_174 = tpu.memref_squeeze %dma_start3A_173 : memref<1x64x128xf32, #tpu.memory_space<vmem>> -> memref<64x128xf32, #tpu.memory_space<vmem>>
      tpu.enqueue_dma source(%dma_start3A_174 : memref<64x128xf32, #tpu.memory_space<vmem>>) target(%dma_start3A_170 : memref<64x128xf32, #tpu.memory_space<hbm>>) target_semaphore(%arg13 : memref<!tpu.dma_semaphore, #tpu.memory_space<semaphore_mem>>)
      %lt3A_175 = arith.constant 49 : i32
      %lt3A_176 = arith.cmpi slt, %scan3A_98, %lt3A_175 : i32
      %convert_element_type3A_177 = arith.extui %lt3A_176 : i1 to i32
      %cond3A_178 = arith.constant 0 : i32
      %cond3A_179 = arith.cmpi ne, %convert_element_type3A_177, %cond3A_178 : i32
      scf.if %cond3A_179 {
        %add3A_266 = arith.constant 4 : i32
        %add3A_267 = arith.addi %add3A_140, %add3A_266 : i32
        %dma_start3A_268 = arith.constant 1 : i32
        %dma_start3A_269 = arith.constant 0 : i32
        %dma_start3A_270 = arith.constant 0 : i32
        %dma_start3A_271 = tpu.memref_slice %arg6[%dma_start3A_268, %dma_start3A_269, %dma_start3A_270] : memref<4x128x128xf32, #tpu.memory_space<vmem>> -> memref<1x128x128xf32, #tpu.memory_space<vmem>>
        %dma_start3A_272 = tpu.memref_squeeze %dma_start3A_271 : memref<1x128x128xf32, #tpu.memory_space<vmem>> -> memref<128x128xf32, #tpu.memory_space<vmem>>
        %dma_start3A_273 = arith.constant 0 : i32
        %dma_start3A_274 = tpu.memref_slice %arg5[%add3A_267, %dma_start3A_273] : memref<200x128xi32, #tpu.memory_space<vmem>> -> memref<1x128xi32, #tpu.memory_space<vmem>>
        %dma_start3A_275 = tpu.memref_squeeze %dma_start3A_274 : memref<1x128xi32, #tpu.memory_space<vmem>> -> memref<128xi32, #tpu.memory_space<vmem>>
        %dma_start3A_276 = arith.constant 0 : i32
        %dma_start3A_277 = arith.constant 0 : i32
        %dma_start3A_278 = tpu.memref_slice %arg3[%dma_start3A_276, %dma_start3A_277] : memref<1000000x128xf32, #tpu.memory_space<hbm>> -> memref<1000000x128xf32, #tpu.memory_space<hbm>>
        tpu.enqueue_indirect_dma source(%dma_start3A_278 : memref<1000000x128xf32, #tpu.memory_space<hbm>>) target(%dma_start3A_272 : memref<128x128xf32, #tpu.memory_space<vmem>>) offsets(%dma_start3A_275 : memref<128xi32, #tpu.memory_space<vmem>>) semaphore(%arg9 : memref<!tpu.dma_semaphore, #tpu.memory_space<semaphore_mem>>)
      } else {
      }
      %mul3A_180 = arith.constant 4 : i32
      %mul3A_181 = arith.muli %scan3A_98, %mul3A_180 : i32
      %add3A_182 = arith.constant 2 : i32
      %add3A_183 = arith.addi %mul3A_181, %add3A_182 : i32
      %dma_wait3A_184 = arith.constant 2 : i32
      %dma_wait3A_185 = arith.constant 0 : i32
      %dma_wait3A_186 = arith.constant 0 : i32
      %dma_wait3A_187 = tpu.memref_slice %arg6[%dma_wait3A_184, %dma_wait3A_185, %dma_wait3A_186] : memref<4x128x128xf32, #tpu.memory_space<vmem>> -> memref<1x128x128xf32, #tpu.memory_space<vmem>>
      %dma_wait3A_188 = tpu.memref_squeeze %dma_wait3A_187 : memref<1x128x128xf32, #tpu.memory_space<vmem>> -> memref<128x128xf32, #tpu.memory_space<vmem>>
      %dma_wait3A_189 = arith.constant 0 : i32
      %dma_wait3A_190 = tpu.memref_slice %arg5[%add3A_183, %dma_wait3A_189] : memref<200x128xi32, #tpu.memory_space<vmem>> -> memref<1x128xi32, #tpu.memory_space<vmem>>
      %dma_wait3A_191 = tpu.memref_squeeze %dma_wait3A_190 : memref<1x128xi32, #tpu.memory_space<vmem>> -> memref<128xi32, #tpu.memory_space<vmem>>
      %dma_wait3A_192 = arith.constant 0 : i32
      %dma_wait3A_193 = arith.constant 0 : i32
      %dma_wait3A_194 = tpu.memref_slice %arg3[%dma_wait3A_192, %dma_wait3A_193] : memref<1000000x128xf32, #tpu.memory_space<hbm>> -> memref<1000000x128xf32, #tpu.memory_space<hbm>>
      tpu.wait_indirect_dma semaphore(%arg10 : memref<!tpu.dma_semaphore, #tpu.memory_space<semaphore_mem>>) src(%dma_wait3A_194 : memref<1000000x128xf32, #tpu.memory_space<hbm>>) dst(%dma_wait3A_188 : memref<128x128xf32, #tpu.memory_space<vmem>>)
      %ge3A_195 = arith.constant 2 : i32
      %ge3A_196 = arith.cmpi sge, %add3A_183, %ge3A_195 : i32
      %convert_element_type3A_197 = arith.extui %ge3A_196 : i1 to i32
      %cond3A_198 = arith.constant 0 : i32
      %cond3A_199 = arith.cmpi ne, %convert_element_type3A_197, %cond3A_198 : i32
      scf.if %cond3A_199 {
        %sub3A = arith.constant 2 : i32
        %sub3A_266 = arith.subi %add3A_183, %sub3A : i32
        %dma_wait3A_267 = arith.constant 0 : i32
        %dma_wait3A_268 = arith.constant 0 : i32
        %dma_wait3A_269 = arith.constant 0 : i32
        %dma_wait3A_270 = tpu.memref_slice %arg7[%dma_wait3A_267, %dma_wait3A_268, %dma_wait3A_269] : memref<2x64x128xf32, #tpu.memory_space<vmem>> -> memref<1x64x128xf32, #tpu.memory_space<vmem>>
        %dma_wait3A_271 = tpu.memref_squeeze %dma_wait3A_270 : memref<1x64x128xf32, #tpu.memory_space<vmem>> -> memref<64x128xf32, #tpu.memory_space<vmem>>
        %dma_wait3A_272 = arith.constant 0 : i32
        %dma_wait3A_273 = tpu.memref_slice %arg4[%sub3A_266, %dma_wait3A_272, %mul3A_2] : memref<200x64x4096xf32, #tpu.memory_space<hbm>> -> memref<1x64x128xf32, #tpu.memory_space<hbm>>
        %dma_wait3A_274 = tpu.memref_squeeze %dma_wait3A_273 : memref<1x64x128xf32, #tpu.memory_space<hbm>> -> memref<64x128xf32, #tpu.memory_space<hbm>>
        %dma_wait3A_275 = arith.constant 0 : i32
        %dma_wait3A_276 = tpu.memref_slice %arg4[%sub3A_266, %dma_wait3A_275, %mul3A_2] : memref<200x64x4096xf32, #tpu.memory_space<hbm>> -> memref<1x64x128xf32, #tpu.memory_space<hbm>>
        %dma_wait3A_277 = tpu.memref_squeeze %dma_wait3A_276 : memref<1x64x128xf32, #tpu.memory_space<hbm>> -> memref<64x128xf32, #tpu.memory_space<hbm>>
        %dma_wait3A_278 = arith.constant 0 : i32
        %dma_wait3A_279 = arith.constant 0 : i32
        %dma_wait3A_280 = tpu.memref_slice %arg7[%dma_wait3A_267, %dma_wait3A_278, %dma_wait3A_279] : memref<2x64x128xf32, #tpu.memory_space<vmem>> -> memref<1x64x128xf32, #tpu.memory_space<vmem>>
        %dma_wait3A_281 = tpu.memref_squeeze %dma_wait3A_280 : memref<1x64x128xf32, #tpu.memory_space<vmem>> -> memref<64x128xf32, #tpu.memory_space<vmem>>
        tpu.wait_dma2 semaphore(%arg12 : memref<!tpu.dma_semaphore, #tpu.memory_space<semaphore_mem>>) src(%dma_wait3A_281 : memref<64x128xf32, #tpu.memory_space<vmem>>) dst(%dma_wait3A_277 : memref<64x128xf32, #tpu.memory_space<hbm>>)
      } else {
      }
      %parallel_loop3A_200 = arith.constant 0 : i32
      %parallel_loop3A_201 = arith.constant 128 : i32
      %parallel_loop3A_202 = arith.constant 1 : i32
      scf.for %parallel_loop3A_266 = %parallel_loop3A_200 to %parallel_loop3A_201 step %parallel_loop3A_202  : i32 {
        %parallel_loop3A_267 = arith.constant 0 : i32
        %parallel_loop3A_268 = vector.broadcast %parallel_loop3A_267 : i32 to vector<16xi32>
        %parallel_loop3A_269 = vector.broadcast %parallel_loop3A_266 : i32 to vector<16xi32>
        %parallel_loop3A_270 = arith.addi %parallel_loop3A_268, %parallel_loop3A_269 : vector<16xi32>
        %parallel_loop3A_271 = arith.constant 2 : i32
        %parallel_loop3A_272 = arith.index_cast %parallel_loop3A_271 : i32 to index
        %parallel_loop3A_273 = arith.index_cast %parallel_loop3A_266 : i32 to index
        %parallel_loop3A_274 = arith.constant 0 : index
        %parallel_loop3A_275 = tpu.vector_load %arg6[%parallel_loop3A_272, %parallel_loop3A_273, %parallel_loop3A_274] {strides = array<i32>} : memref<4x128x128xf32, #tpu.memory_space<vmem>>, vector<16xf32>,
        %parallel_loop3A_276 = arith.constant 8.000000e+00 : f32
        %parallel_loop3A_277 = vector.broadcast %parallel_loop3A_276 : f32 to vector<16xf32>
        %parallel_loop3A_278 = arith.mulf %parallel_loop3A_275, %parallel_loop3A_277 : vector<16xf32>
        %parallel_loop3A_279 = arith.constant 0 : i32
        %parallel_loop3A_280 = arith.constant 0 : i32
        %parallel_loop3A_281 = arith.constant 0 : i32
        %parallel_loop3A_282 = tpu.memref_slice %arg7[%parallel_loop3A_279, %parallel_loop3A_280, %parallel_loop3A_281] : memref<2x64x128xf32, #tpu.memory_space<vmem>> -> memref<1x64x128xf32, #tpu.memory_space<vmem>>
        %parallel_loop3A_283 = tpu.memref_squeeze %parallel_loop3A_282 : memref<1x64x128xf32, #tpu.memory_space<vmem>> -> memref<64x128xf32, #tpu.memory_space<vmem>>
        tpu.vector_store_idx %parallel_loop3A_283[%add3A_5, %parallel_loop3A_270], %parallel_loop3A_278 : memref<64x128xf32, #tpu.memory_space<vmem>>[vector<16xi32>, vector<16xi32>], vector<16xf32>,
        %parallel_loop3A_284 = arith.constant 2 : i32
        %parallel_loop3A_285 = arith.index_cast %parallel_loop3A_284 : i32 to index
        %parallel_loop3A_286 = arith.index_cast %parallel_loop3A_266 : i32 to index
        %parallel_loop3A_287 = arith.constant 16 : index
        %parallel_loop3A_288 = tpu.vector_load %arg6[%parallel_loop3A_285, %parallel_loop3A_286, %parallel_loop3A_287] {strides = array<i32>} : memref<4x128x128xf32, #tpu.memory_space<vmem>>, vector<16xf32>,
        %parallel_loop3A_289 = arith.constant 8.000000e+00 : f32
        %parallel_loop3A_290 = vector.broadcast %parallel_loop3A_289 : f32 to vector<16xf32>
        %parallel_loop3A_291 = arith.mulf %parallel_loop3A_288, %parallel_loop3A_290 : vector<16xf32>
        %parallel_loop3A_292 = arith.constant 0 : i32
        %parallel_loop3A_293 = arith.constant 0 : i32
        %parallel_loop3A_294 = arith.constant 0 : i32
        %parallel_loop3A_295 = tpu.memref_slice %arg7[%parallel_loop3A_292, %parallel_loop3A_293, %parallel_loop3A_294] : memref<2x64x128xf32, #tpu.memory_space<vmem>> -> memref<1x64x128xf32, #tpu.memory_space<vmem>>
        %parallel_loop3A_296 = tpu.memref_squeeze %parallel_loop3A_295 : memref<1x64x128xf32, #tpu.memory_space<vmem>> -> memref<64x128xf32, #tpu.memory_space<vmem>>
        tpu.vector_store_idx %parallel_loop3A_296[%add3A_8, %parallel_loop3A_270], %parallel_loop3A_291 : memref<64x128xf32, #tpu.memory_space<vmem>>[vector<16xi32>, vector<16xi32>], vector<16xf32>,
        %parallel_loop3A_297 = arith.constant 2 : i32
        %parallel_loop3A_298 = arith.index_cast %parallel_loop3A_297 : i32 to index
        %parallel_loop3A_299 = arith.index_cast %parallel_loop3A_266 : i32 to index
        %parallel_loop3A_300 = arith.constant 32 : index
        %parallel_loop3A_301 = tpu.vector_load %arg6[%parallel_loop3A_298, %parallel_loop3A_299, %parallel_loop3A_300] {strides = array<i32>} : memref<4x128x128xf32, #tpu.memory_space<vmem>>, vector<16xf32>,
        %parallel_loop3A_302 = arith.constant 8.000000e+00 : f32
        %parallel_loop3A_303 = vector.broadcast %parallel_loop3A_302 : f32 to vector<16xf32>
        %parallel_loop3A_304 = arith.mulf %parallel_loop3A_301, %parallel_loop3A_303 : vector<16xf32>
        %parallel_loop3A_305 = arith.constant 0 : i32
        %parallel_loop3A_306 = arith.constant 0 : i32
        %parallel_loop3A_307 = arith.constant 0 : i32
        %parallel_loop3A_308 = tpu.memref_slice %arg7[%parallel_loop3A_305, %parallel_loop3A_306, %parallel_loop3A_307] : memref<2x64x128xf32, #tpu.memory_space<vmem>> -> memref<1x64x128xf32, #tpu.memory_space<vmem>>
        %parallel_loop3A_309 = tpu.memref_squeeze %parallel_loop3A_308 : memref<1x64x128xf32, #tpu.memory_space<vmem>> -> memref<64x128xf32, #tpu.memory_space<vmem>>
        tpu.vector_store_idx %parallel_loop3A_309[%add3A_11, %parallel_loop3A_270], %parallel_loop3A_304 : memref<64x128xf32, #tpu.memory_space<vmem>>[vector<16xi32>, vector<16xi32>], vector<16xf32>,
        %parallel_loop3A_310 = arith.constant 2 : i32
        %parallel_loop3A_311 = arith.index_cast %parallel_loop3A_310 : i32 to index
        %parallel_loop3A_312 = arith.index_cast %parallel_loop3A_266 : i32 to index
        %parallel_loop3A_313 = arith.constant 48 : index
        %parallel_loop3A_314 = tpu.vector_load %arg6[%parallel_loop3A_311, %parallel_loop3A_312, %parallel_loop3A_313] {strides = array<i32>} : memref<4x128x128xf32, #tpu.memory_space<vmem>>, vector<16xf32>,
        %parallel_loop3A_315 = arith.constant 8.000000e+00 : f32
        %parallel_loop3A_316 = vector.broadcast %parallel_loop3A_315 : f32 to vector<16xf32>
        %parallel_loop3A_317 = arith.mulf %parallel_loop3A_314, %parallel_loop3A_316 : vector<16xf32>
        %parallel_loop3A_318 = arith.constant 0 : i32
        %parallel_loop3A_319 = arith.constant 0 : i32
        %parallel_loop3A_320 = arith.constant 0 : i32
        %parallel_loop3A_321 = tpu.memref_slice %arg7[%parallel_loop3A_318, %parallel_loop3A_319, %parallel_loop3A_320] : memref<2x64x128xf32, #tpu.memory_space<vmem>> -> memref<1x64x128xf32, #tpu.memory_space<vmem>>
        %parallel_loop3A_322 = tpu.memref_squeeze %parallel_loop3A_321 : memref<1x64x128xf32, #tpu.memory_space<vmem>> -> memref<64x128xf32, #tpu.memory_space<vmem>>
        tpu.vector_store_idx %parallel_loop3A_322[%add3A_14, %parallel_loop3A_270], %parallel_loop3A_317 : memref<64x128xf32, #tpu.memory_space<vmem>>[vector<16xi32>, vector<16xi32>], vector<16xf32>,
      } {sc.loop_unroll_factor = 4 : i64, sc.parallel_access}
      %dma_start3A_203 = arith.constant 0 : i32
      %dma_start3A_204 = arith.constant 0 : i32
      %dma_start3A_205 = arith.constant 0 : i32
      %dma_start3A_206 = tpu.memref_slice %arg7[%dma_start3A_203, %dma_start3A_204, %dma_start3A_205] : memref<2x64x128xf32, #tpu.memory_space<vmem>> -> memref<1x64x128xf32, #tpu.memory_space<vmem>>
      %dma_start3A_207 = tpu.memref_squeeze %dma_start3A_206 : memref<1x64x128xf32, #tpu.memory_space<vmem>> -> memref<64x128xf32, #tpu.memory_space<vmem>>
      %dma_start3A_208 = arith.constant 0 : i32
      %dma_start3A_209 = tpu.memref_slice %arg4[%add3A_183, %dma_start3A_208, %mul3A_2] : memref<200x64x4096xf32, #tpu.memory_space<hbm>> -> memref<1x64x128xf32, #tpu.memory_space<hbm>>
      %dma_start3A_210 = tpu.memref_squeeze %dma_start3A_209 : memref<1x64x128xf32, #tpu.memory_space<hbm>> -> memref<64x128xf32, #tpu.memory_space<hbm>>
      %dma_start3A_211 = arith.constant 0 : i32
      %dma_start3A_212 = tpu.memref_slice %arg4[%add3A_183, %dma_start3A_211, %mul3A_2] : memref<200x64x4096xf32, #tpu.memory_space<hbm>> -> memref<1x64x128xf32, #tpu.memory_space<hbm>>
      %dma_start3A_213 = tpu.memref_squeeze %dma_start3A_212 : memref<1x64x128xf32, #tpu.memory_space<hbm>> -> memref<64x128xf32, #tpu.memory_space<hbm>>
      %dma_start3A_214 = arith.constant 0 : i32
      %dma_start3A_215 = arith.constant 0 : i32
      %dma_start3A_216 = tpu.memref_slice %arg7[%dma_start3A_203, %dma_start3A_214, %dma_start3A_215] : memref<2x64x128xf32, #tpu.memory_space<vmem>> -> memref<1x64x128xf32, #tpu.memory_space<vmem>>
      %dma_start3A_217 = tpu.memref_squeeze %dma_start3A_216 : memref<1x64x128xf32, #tpu.memory_space<vmem>> -> memref<64x128xf32, #tpu.memory_space<vmem>>
      tpu.enqueue_dma source(%dma_start3A_217 : memref<64x128xf32, #tpu.memory_space<vmem>>) target(%dma_start3A_213 : memref<64x128xf32, #tpu.memory_space<hbm>>) target_semaphore(%arg12 : memref<!tpu.dma_semaphore, #tpu.memory_space<semaphore_mem>>)
      %lt3A_218 = arith.constant 49 : i32
      %lt3A_219 = arith.cmpi slt, %scan3A_98, %lt3A_218 : i32
      %convert_element_type3A_220 = arith.extui %lt3A_219 : i1 to i32
      %cond3A_221 = arith.constant 0 : i32
      %cond3A_222 = arith.cmpi ne, %convert_element_type3A_220, %cond3A_221 : i32
      scf.if %cond3A_222 {
        %add3A_266 = arith.constant 4 : i32
        %add3A_267 = arith.addi %add3A_183, %add3A_266 : i32
        %dma_start3A_268 = arith.constant 2 : i32
        %dma_start3A_269 = arith.constant 0 : i32
        %dma_start3A_270 = arith.constant 0 : i32
        %dma_start3A_271 = tpu.memref_slice %arg6[%dma_start3A_268, %dma_start3A_269, %dma_start3A_270] : memref<4x128x128xf32, #tpu.memory_space<vmem>> -> memref<1x128x128xf32, #tpu.memory_space<vmem>>
        %dma_start3A_272 = tpu.memref_squeeze %dma_start3A_271 : memref<1x128x128xf32, #tpu.memory_space<vmem>> -> memref<128x128xf32, #tpu.memory_space<vmem>>
        %dma_start3A_273 = arith.constant 0 : i32
        %dma_start3A_274 = tpu.memref_slice %arg5[%add3A_267, %dma_start3A_273] : memref<200x128xi32, #tpu.memory_space<vmem>> -> memref<1x128xi32, #tpu.memory_space<vmem>>
        %dma_start3A_275 = tpu.memref_squeeze %dma_start3A_274 : memref<1x128xi32, #tpu.memory_space<vmem>> -> memref<128xi32, #tpu.memory_space<vmem>>
        %dma_start3A_276 = arith.constant 0 : i32
        %dma_start3A_277 = arith.constant 0 : i32
        %dma_start3A_278 = tpu.memref_slice %arg3[%dma_start3A_276, %dma_start3A_277] : memref<1000000x128xf32, #tpu.memory_space<hbm>> -> memref<1000000x128xf32, #tpu.memory_space<hbm>>
        tpu.enqueue_indirect_dma source(%dma_start3A_278 : memref<1000000x128xf32, #tpu.memory_space<hbm>>) target(%dma_start3A_272 : memref<128x128xf32, #tpu.memory_space<vmem>>) offsets(%dma_start3A_275 : memref<128xi32, #tpu.memory_space<vmem>>) semaphore(%arg10 : memref<!tpu.dma_semaphore, #tpu.memory_space<semaphore_mem>>)
      } else {
      }
      %mul3A_223 = arith.constant 4 : i32
      %mul3A_224 = arith.muli %scan3A_98, %mul3A_223 : i32
      %add3A_225 = arith.constant 3 : i32
      %add3A_226 = arith.addi %mul3A_224, %add3A_225 : i32
      %dma_wait3A_227 = arith.constant 3 : i32
      %dma_wait3A_228 = arith.constant 0 : i32
      %dma_wait3A_229 = arith.constant 0 : i32
      %dma_wait3A_230 = tpu.memref_slice %arg6[%dma_wait3A_227, %dma_wait3A_228, %dma_wait3A_229] : memref<4x128x128xf32, #tpu.memory_space<vmem>> -> memref<1x128x128xf32, #tpu.memory_space<vmem>>
      %dma_wait3A_231 = tpu.memref_squeeze %dma_wait3A_230 : memref<1x128x128xf32, #tpu.memory_space<vmem>> -> memref<128x128xf32, #tpu.memory_space<vmem>>
      %dma_wait3A_232 = arith.constant 0 : i32
      %dma_wait3A_233 = tpu.memref_slice %arg5[%add3A_226, %dma_wait3A_232] : memref<200x128xi32, #tpu.memory_space<vmem>> -> memref<1x128xi32, #tpu.memory_space<vmem>>
      %dma_wait3A_234 = tpu.memref_squeeze %dma_wait3A_233 : memref<1x128xi32, #tpu.memory_space<vmem>> -> memref<128xi32, #tpu.memory_space<vmem>>
      %dma_wait3A_235 = arith.constant 0 : i32
      %dma_wait3A_236 = arith.constant 0 : i32
      %dma_wait3A_237 = tpu.memref_slice %arg3[%dma_wait3A_235, %dma_wait3A_236] : memref<1000000x128xf32, #tpu.memory_space<hbm>> -> memref<1000000x128xf32, #tpu.memory_space<hbm>>
      tpu.wait_indirect_dma semaphore(%arg11 : memref<!tpu.dma_semaphore, #tpu.memory_space<semaphore_mem>>) src(%dma_wait3A_237 : memref<1000000x128xf32, #tpu.memory_space<hbm>>) dst(%dma_wait3A_231 : memref<128x128xf32, #tpu.memory_space<vmem>>)
      %ge3A_238 = arith.constant 2 : i32
      %ge3A_239 = arith.cmpi sge, %add3A_226, %ge3A_238 : i32
      %convert_element_type3A_240 = arith.extui %ge3A_239 : i1 to i32
      %cond3A_241 = arith.constant 0 : i32
      %cond3A_242 = arith.cmpi ne, %convert_element_type3A_240, %cond3A_241 : i32
      scf.if %cond3A_242 {
        %sub3A = arith.constant 2 : i32
        %sub3A_266 = arith.subi %add3A_226, %sub3A : i32
        %dma_wait3A_267 = arith.constant 1 : i32
        %dma_wait3A_268 = arith.constant 0 : i32
        %dma_wait3A_269 = arith.constant 0 : i32
        %dma_wait3A_270 = tpu.memref_slice %arg7[%dma_wait3A_267, %dma_wait3A_268, %dma_wait3A_269] : memref<2x64x128xf32, #tpu.memory_space<vmem>> -> memref<1x64x128xf32, #tpu.memory_space<vmem>>
        %dma_wait3A_271 = tpu.memref_squeeze %dma_wait3A_270 : memref<1x64x128xf32, #tpu.memory_space<vmem>> -> memref<64x128xf32, #tpu.memory_space<vmem>>
        %dma_wait3A_272 = arith.constant 0 : i32
        %dma_wait3A_273 = tpu.memref_slice %arg4[%sub3A_266, %dma_wait3A_272, %mul3A_2] : memref<200x64x4096xf32, #tpu.memory_space<hbm>> -> memref<1x64x128xf32, #tpu.memory_space<hbm>>
        %dma_wait3A_274 = tpu.memref_squeeze %dma_wait3A_273 : memref<1x64x128xf32, #tpu.memory_space<hbm>> -> memref<64x128xf32, #tpu.memory_space<hbm>>
        %dma_wait3A_275 = arith.constant 0 : i32
        %dma_wait3A_276 = tpu.memref_slice %arg4[%sub3A_266, %dma_wait3A_275, %mul3A_2] : memref<200x64x4096xf32, #tpu.memory_space<hbm>> -> memref<1x64x128xf32, #tpu.memory_space<hbm>>
        %dma_wait3A_277 = tpu.memref_squeeze %dma_wait3A_276 : memref<1x64x128xf32, #tpu.memory_space<hbm>> -> memref<64x128xf32, #tpu.memory_space<hbm>>
        %dma_wait3A_278 = arith.constant 0 : i32
        %dma_wait3A_279 = arith.constant 0 : i32
        %dma_wait3A_280 = tpu.memref_slice %arg7[%dma_wait3A_267, %dma_wait3A_278, %dma_wait3A_279] : memref<2x64x128xf32, #tpu.memory_space<vmem>> -> memref<1x64x128xf32, #tpu.memory_space<vmem>>
        %dma_wait3A_281 = tpu.memref_squeeze %dma_wait3A_280 : memref<1x64x128xf32, #tpu.memory_space<vmem>> -> memref<64x128xf32, #tpu.memory_space<vmem>>
        tpu.wait_dma2 semaphore(%arg13 : memref<!tpu.dma_semaphore, #tpu.memory_space<semaphore_mem>>) src(%dma_wait3A_281 : memref<64x128xf32, #tpu.memory_space<vmem>>) dst(%dma_wait3A_277 : memref<64x128xf32, #tpu.memory_space<hbm>>)
      } else {
      }
      %parallel_loop3A_243 = arith.constant 0 : i32
      %parallel_loop3A_244 = arith.constant 128 : i32
      %parallel_loop3A_245 = arith.constant 1 : i32
      scf.for %parallel_loop3A_266 = %parallel_loop3A_243 to %parallel_loop3A_244 step %parallel_loop3A_245  : i32 {
        %parallel_loop3A_267 = arith.constant 0 : i32
        %parallel_loop3A_268 = vector.broadcast %parallel_loop3A_267 : i32 to vector<16xi32>
        %parallel_loop3A_269 = vector.broadcast %parallel_loop3A_266 : i32 to vector<16xi32>
        %parallel_loop3A_270 = arith.addi %parallel_loop3A_268, %parallel_loop3A_269 : vector<16xi32>
        %parallel_loop3A_271 = arith.constant 3 : i32
        %parallel_loop3A_272 = arith.index_cast %parallel_loop3A_271 : i32 to index
        %parallel_loop3A_273 = arith.index_cast %parallel_loop3A_266 : i32 to index
        %parallel_loop3A_274 = arith.constant 0 : index
        %parallel_loop3A_275 = tpu.vector_load %arg6[%parallel_loop3A_272, %parallel_loop3A_273, %parallel_loop3A_274] {strides = array<i32>} : memref<4x128x128xf32, #tpu.memory_space<vmem>>, vector<16xf32>,
        %parallel_loop3A_276 = arith.constant 8.000000e+00 : f32
        %parallel_loop3A_277 = vector.broadcast %parallel_loop3A_276 : f32 to vector<16xf32>
        %parallel_loop3A_278 = arith.mulf %parallel_loop3A_275, %parallel_loop3A_277 : vector<16xf32>
        %parallel_loop3A_279 = arith.constant 1 : i32
        %parallel_loop3A_280 = arith.constant 0 : i32
        %parallel_loop3A_281 = arith.constant 0 : i32
        %parallel_loop3A_282 = tpu.memref_slice %arg7[%parallel_loop3A_279, %parallel_loop3A_280, %parallel_loop3A_281] : memref<2x64x128xf32, #tpu.memory_space<vmem>> -> memref<1x64x128xf32, #tpu.memory_space<vmem>>
        %parallel_loop3A_283 = tpu.memref_squeeze %parallel_loop3A_282 : memref<1x64x128xf32, #tpu.memory_space<vmem>> -> memref<64x128xf32, #tpu.memory_space<vmem>>
        tpu.vector_store_idx %parallel_loop3A_283[%add3A_5, %parallel_loop3A_270], %parallel_loop3A_278 : memref<64x128xf32, #tpu.memory_space<vmem>>[vector<16xi32>, vector<16xi32>], vector<16xf32>,
        %parallel_loop3A_284 = arith.constant 3 : i32
        %parallel_loop3A_285 = arith.index_cast %parallel_loop3A_284 : i32 to index
        %parallel_loop3A_286 = arith.index_cast %parallel_loop3A_266 : i32 to index
        %parallel_loop3A_287 = arith.constant 16 : index
        %parallel_loop3A_288 = tpu.vector_load %arg6[%parallel_loop3A_285, %parallel_loop3A_286, %parallel_loop3A_287] {strides = array<i32>} : memref<4x128x128xf32, #tpu.memory_space<vmem>>, vector<16xf32>,
        %parallel_loop3A_289 = arith.constant 8.000000e+00 : f32
        %parallel_loop3A_290 = vector.broadcast %parallel_loop3A_289 : f32 to vector<16xf32>
        %parallel_loop3A_291 = arith.mulf %parallel_loop3A_288, %parallel_loop3A_290 : vector<16xf32>
        %parallel_loop3A_292 = arith.constant 1 : i32
        %parallel_loop3A_293 = arith.constant 0 : i32
        %parallel_loop3A_294 = arith.constant 0 : i32
        %parallel_loop3A_295 = tpu.memref_slice %arg7[%parallel_loop3A_292, %parallel_loop3A_293, %parallel_loop3A_294] : memref<2x64x128xf32, #tpu.memory_space<vmem>> -> memref<1x64x128xf32, #tpu.memory_space<vmem>>
        %parallel_loop3A_296 = tpu.memref_squeeze %parallel_loop3A_295 : memref<1x64x128xf32, #tpu.memory_space<vmem>> -> memref<64x128xf32, #tpu.memory_space<vmem>>
        tpu.vector_store_idx %parallel_loop3A_296[%add3A_8, %parallel_loop3A_270], %parallel_loop3A_291 : memref<64x128xf32, #tpu.memory_space<vmem>>[vector<16xi32>, vector<16xi32>], vector<16xf32>,
        %parallel_loop3A_297 = arith.constant 3 : i32
        %parallel_loop3A_298 = arith.index_cast %parallel_loop3A_297 : i32 to index
        %parallel_loop3A_299 = arith.index_cast %parallel_loop3A_266 : i32 to index
        %parallel_loop3A_300 = arith.constant 32 : index
        %parallel_loop3A_301 = tpu.vector_load %arg6[%parallel_loop3A_298, %parallel_loop3A_299, %parallel_loop3A_300] {strides = array<i32>} : memref<4x128x128xf32, #tpu.memory_space<vmem>>, vector<16xf32>,
        %parallel_loop3A_302 = arith.constant 8.000000e+00 : f32
        %parallel_loop3A_303 = vector.broadcast %parallel_loop3A_302 : f32 to vector<16xf32>
        %parallel_loop3A_304 = arith.mulf %parallel_loop3A_301, %parallel_loop3A_303 : vector<16xf32>
        %parallel_loop3A_305 = arith.constant 1 : i32
        %parallel_loop3A_306 = arith.constant 0 : i32
        %parallel_loop3A_307 = arith.constant 0 : i32
        %parallel_loop3A_308 = tpu.memref_slice %arg7[%parallel_loop3A_305, %parallel_loop3A_306, %parallel_loop3A_307] : memref<2x64x128xf32, #tpu.memory_space<vmem>> -> memref<1x64x128xf32, #tpu.memory_space<vmem>>
        %parallel_loop3A_309 = tpu.memref_squeeze %parallel_loop3A_308 : memref<1x64x128xf32, #tpu.memory_space<vmem>> -> memref<64x128xf32, #tpu.memory_space<vmem>>
        tpu.vector_store_idx %parallel_loop3A_309[%add3A_11, %parallel_loop3A_270], %parallel_loop3A_304 : memref<64x128xf32, #tpu.memory_space<vmem>>[vector<16xi32>, vector<16xi32>], vector<16xf32>,
        %parallel_loop3A_310 = arith.constant 3 : i32
        %parallel_loop3A_311 = arith.index_cast %parallel_loop3A_310 : i32 to index
        %parallel_loop3A_312 = arith.index_cast %parallel_loop3A_266 : i32 to index
        %parallel_loop3A_313 = arith.constant 48 : index
        %parallel_loop3A_314 = tpu.vector_load %arg6[%parallel_loop3A_311, %parallel_loop3A_312, %parallel_loop3A_313] {strides = array<i32>} : memref<4x128x128xf32, #tpu.memory_space<vmem>>, vector<16xf32>,
        %parallel_loop3A_315 = arith.constant 8.000000e+00 : f32
        %parallel_loop3A_316 = vector.broadcast %parallel_loop3A_315 : f32 to vector<16xf32>
        %parallel_loop3A_317 = arith.mulf %parallel_loop3A_314, %parallel_loop3A_316 : vector<16xf32>
        %parallel_loop3A_318 = arith.constant 1 : i32
        %parallel_loop3A_319 = arith.constant 0 : i32
        %parallel_loop3A_320 = arith.constant 0 : i32
        %parallel_loop3A_321 = tpu.memref_slice %arg7[%parallel_loop3A_318, %parallel_loop3A_319, %parallel_loop3A_320] : memref<2x64x128xf32, #tpu.memory_space<vmem>> -> memref<1x64x128xf32, #tpu.memory_space<vmem>>
        %parallel_loop3A_322 = tpu.memref_squeeze %parallel_loop3A_321 : memref<1x64x128xf32, #tpu.memory_space<vmem>> -> memref<64x128xf32, #tpu.memory_space<vmem>>
        tpu.vector_store_idx %parallel_loop3A_322[%add3A_14, %parallel_loop3A_270], %parallel_loop3A_317 : memref<64x128xf32, #tpu.memory_space<vmem>>[vector<16xi32>, vector<16xi32>], vector<16xf32>,
      } {sc.loop_unroll_factor = 4 : i64, sc.parallel_access}
      %dma_start3A_246 = arith.constant 1 : i32
      %dma_start3A_247 = arith.constant 0 : i32
      %dma_start3A_248 = arith.constant 0 : i32
      %dma_start3A_249 = tpu.memref_slice %arg7[%dma_start3A_246, %dma_start3A_247, %dma_start3A_248] : memref<2x64x128xf32, #tpu.memory_space<vmem>> -> memref<1x64x128xf32, #tpu.memory_space<vmem>>
      %dma_start3A_250 = tpu.memref_squeeze %dma_start3A_249 : memref<1x64x128xf32, #tpu.memory_space<vmem>> -> memref<64x128xf32, #tpu.memory_space<vmem>>
      %dma_start3A_251 = arith.constant 0 : i32
      %dma_start3A_252 = tpu.memref_slice %arg4[%add3A_226, %dma_start3A_251, %mul3A_2] : memref<200x64x4096xf32, #tpu.memory_space<hbm>> -> memref<1x64x128xf32, #tpu.memory_space<hbm>>
      %dma_start3A_253 = tpu.memref_squeeze %dma_start3A_252 : memref<1x64x128xf32, #tpu.memory_space<hbm>> -> memref<64x128xf32, #tpu.memory_space<hbm>>
      %dma_start3A_254 = arith.constant 0 : i32
      %dma_start3A_255 = tpu.memref_slice %arg4[%add3A_226, %dma_start3A_254, %mul3A_2] : memref<200x64x4096xf32, #tpu.memory_space<hbm>> -> memref<1x64x128xf32, #tpu.memory_space<hbm>>
      %dma_start3A_256 = tpu.memref_squeeze %dma_start3A_255 : memref<1x64x128xf32, #tpu.memory_space<hbm>> -> memref<64x128xf32, #tpu.memory_space<hbm>>
      %dma_start3A_257 = arith.constant 0 : i32
      %dma_start3A_258 = arith.constant 0 : i32
      %dma_start3A_259 = tpu.memref_slice %arg7[%dma_start3A_246, %dma_start3A_257, %dma_start3A_258] : memref<2x64x128xf32, #tpu.memory_space<vmem>> -> memref<1x64x128xf32, #tpu.memory_space<vmem>>
      %dma_start3A_260 = tpu.memref_squeeze %dma_start3A_259 : memref<1x64x128xf32, #tpu.memory_space<vmem>> -> memref<64x128xf32, #tpu.memory_space<vmem>>
      tpu.enqueue_dma source(%dma_start3A_260 : memref<64x128xf32, #tpu.memory_space<vmem>>) target(%dma_start3A_256 : memref<64x128xf32, #tpu.memory_space<hbm>>) target_semaphore(%arg13 : memref<!tpu.dma_semaphore, #tpu.memory_space<semaphore_mem>>)
      %lt3A_261 = arith.constant 49 : i32
      %lt3A_262 = arith.cmpi slt, %scan3A_98, %lt3A_261 : i32
      %convert_element_type3A_263 = arith.extui %lt3A_262 : i1 to i32
      %cond3A_264 = arith.constant 0 : i32
      %cond3A_265 = arith.cmpi ne, %convert_element_type3A_263, %cond3A_264 : i32
      scf.if %cond3A_265 {
        %add3A_266 = arith.constant 4 : i32
        %add3A_267 = arith.addi %add3A_226, %add3A_266 : i32
        %dma_start3A_268 = arith.constant 3 : i32
        %dma_start3A_269 = arith.constant 0 : i32
        %dma_start3A_270 = arith.constant 0 : i32
        %dma_start3A_271 = tpu.memref_slice %arg6[%dma_start3A_268, %dma_start3A_269, %dma_start3A_270] : memref<4x128x128xf32, #tpu.memory_space<vmem>> -> memref<1x128x128xf32, #tpu.memory_space<vmem>>
        %dma_start3A_272 = tpu.memref_squeeze %dma_start3A_271 : memref<1x128x128xf32, #tpu.memory_space<vmem>> -> memref<128x128xf32, #tpu.memory_space<vmem>>
        %dma_start3A_273 = arith.constant 0 : i32
        %dma_start3A_274 = tpu.memref_slice %arg5[%add3A_267, %dma_start3A_273] : memref<200x128xi32, #tpu.memory_space<vmem>> -> memref<1x128xi32, #tpu.memory_space<vmem>>
        %dma_start3A_275 = tpu.memref_squeeze %dma_start3A_274 : memref<1x128xi32, #tpu.memory_space<vmem>> -> memref<128xi32, #tpu.memory_space<vmem>>
        %dma_start3A_276 = arith.constant 0 : i32
        %dma_start3A_277 = arith.constant 0 : i32
        %dma_start3A_278 = tpu.memref_slice %arg3[%dma_start3A_276, %dma_start3A_277] : memref<1000000x128xf32, #tpu.memory_space<hbm>> -> memref<1000000x128xf32, #tpu.memory_space<hbm>>
        tpu.enqueue_indirect_dma source(%dma_start3A_278 : memref<1000000x128xf32, #tpu.memory_space<hbm>>) target(%dma_start3A_272 : memref<128x128xf32, #tpu.memory_space<vmem>>) offsets(%dma_start3A_275 : memref<128xi32, #tpu.memory_space<vmem>>) semaphore(%arg11 : memref<!tpu.dma_semaphore, #tpu.memory_space<semaphore_mem>>)
      } else {
      }
    }
    %scan3A_66 = arith.constant 50 : i32
    %dma_wait3A = arith.constant 0 : i32
    %dma_wait3A_67 = arith.constant 198 : i32
    %dma_wait3A_68 = arith.constant 0 : i32
    %dma_wait3A_69 = arith.constant 0 : i32
    %dma_wait3A_70 = tpu.memref_slice %arg7[%dma_wait3A, %dma_wait3A_68, %dma_wait3A_69] : memref<2x64x128xf32, #tpu.memory_space<vmem>> -> memref<1x64x128xf32, #tpu.memory_space<vmem>>
    %dma_wait3A_71 = tpu.memref_squeeze %dma_wait3A_70 : memref<1x64x128xf32, #tpu.memory_space<vmem>> -> memref<64x128xf32, #tpu.memory_space<vmem>>
    %dma_wait3A_72 = arith.constant 0 : i32
    %dma_wait3A_73 = tpu.memref_slice %arg4[%dma_wait3A_67, %dma_wait3A_72, %mul3A_2] : memref<200x64x4096xf32, #tpu.memory_space<hbm>> -> memref<1x64x128xf32, #tpu.memory_space<hbm>>
    %dma_wait3A_74 = tpu.memref_squeeze %dma_wait3A_73 : memref<1x64x128xf32, #tpu.memory_space<hbm>> -> memref<64x128xf32, #tpu.memory_space<hbm>>
    %dma_wait3A_75 = arith.constant 0 : i32
    %dma_wait3A_76 = tpu.memref_slice %arg4[%dma_wait3A_67, %dma_wait3A_75, %mul3A_2] : memref<200x64x4096xf32, #tpu.memory_space<hbm>> -> memref<1x64x128xf32, #tpu.memory_space<hbm>>
    %dma_wait3A_77 = tpu.memref_squeeze %dma_wait3A_76 : memref<1x64x128xf32, #tpu.memory_space<hbm>> -> memref<64x128xf32, #tpu.memory_space<hbm>>
    %dma_wait3A_78 = arith.constant 0 : i32
    %dma_wait3A_79 = arith.constant 0 : i32
    %dma_wait3A_80 = tpu.memref_slice %arg7[%dma_wait3A, %dma_wait3A_78, %dma_wait3A_79] : memref<2x64x128xf32, #tpu.memory_space<vmem>> -> memref<1x64x128xf32, #tpu.memory_space<vmem>>
    %dma_wait3A_81 = tpu.memref_squeeze %dma_wait3A_80 : memref<1x64x128xf32, #tpu.memory_space<vmem>> -> memref<64x128xf32, #tpu.memory_space<vmem>>
    tpu.wait_dma2 semaphore(%arg12 : memref<!tpu.dma_semaphore, #tpu.memory_space<semaphore_mem>>) src(%dma_wait3A_81 : memref<64x128xf32, #tpu.memory_space<vmem>>) dst(%dma_wait3A_77 : memref<64x128xf32, #tpu.memory_space<hbm>>)
    %dma_wait3A_82 = arith.constant 1 : i32
    %dma_wait3A_83 = arith.constant 199 : i32
    %dma_wait3A_84 = arith.constant 0 : i32
    %dma_wait3A_85 = arith.constant 0 : i32
    %dma_wait3A_86 = tpu.memref_slice %arg7[%dma_wait3A_82, %dma_wait3A_84, %dma_wait3A_85] : memref<2x64x128xf32, #tpu.memory_space<vmem>> -> memref<1x64x128xf32, #tpu.memory_space<vmem>>
    %dma_wait3A_87 = tpu.memref_squeeze %dma_wait3A_86 : memref<1x64x128xf32, #tpu.memory_space<vmem>> -> memref<64x128xf32, #tpu.memory_space<vmem>>
    %dma_wait3A_88 = arith.constant 0 : i32
    %dma_wait3A_89 = tpu.memref_slice %arg4[%dma_wait3A_83, %dma_wait3A_88, %mul3A_2] : memref<200x64x4096xf32, #tpu.memory_space<hbm>> -> memref<1x64x128xf32, #tpu.memory_space<hbm>>
    %dma_wait3A_90 = tpu.memref_squeeze %dma_wait3A_89 : memref<1x64x128xf32, #tpu.memory_space<hbm>> -> memref<64x128xf32, #tpu.memory_space<hbm>>
    %dma_wait3A_91 = arith.constant 0 : i32
    %dma_wait3A_92 = tpu.memref_slice %arg4[%dma_wait3A_83, %dma_wait3A_91, %mul3A_2] : memref<200x64x4096xf32, #tpu.memory_space<hbm>> -> memref<1x64x128xf32, #tpu.memory_space<hbm>>
    %dma_wait3A_93 = tpu.memref_squeeze %dma_wait3A_92 : memref<1x64x128xf32, #tpu.memory_space<hbm>> -> memref<64x128xf32, #tpu.memory_space<hbm>>
    %dma_wait3A_94 = arith.constant 0 : i32
    %dma_wait3A_95 = arith.constant 0 : i32
    %dma_wait3A_96 = tpu.memref_slice %arg7[%dma_wait3A_82, %dma_wait3A_94, %dma_wait3A_95] : memref<2x64x128xf32, #tpu.memory_space<vmem>> -> memref<1x64x128xf32, #tpu.memory_space<vmem>>
    %dma_wait3A_97 = tpu.memref_squeeze %dma_wait3A_96 : memref<1x64x128xf32, #tpu.memory_space<vmem>> -> memref<64x128xf32, #tpu.memory_space<vmem>>
    tpu.wait_dma2 semaphore(%arg13 : memref<!tpu.dma_semaphore, #tpu.memory_space<semaphore_mem>>) src(%dma_wait3A_97 : memref<64x128xf32, #tpu.memory_space<vmem>>) dst(%dma_wait3A_93 : memref<64x128xf32, #tpu.memory_space<hbm>>)
    return
  }
}

</mosaic_0001>

<sc_bundles>
// kernel: kernel.3.cloned.1.call-start
scs
__scs_entry_jumppad:
0x0: {  	(pc) =	sbr.rel $0x88, $3  }
0x1: {  	(tag) =	ssettag $0x0;
	lr =	simm.s32 $0x1  }
0x2: {  	[smem:$0x3F9F] =	sst lr;
	_ =	strace $0xD0000000  }
0x3: {  	_ = 	snop  }
0x4: {  	_ = 	snop  }
0x5: {  	_ = 	snop  }
0x6: {  	_ = 	snop  }
0x7: {  	_ = 	snop  }
__scs_overlays_trampoline_lowered:
0x8: {  	[smem:$0x3FAE] =	sst s0  }
0x9: {  	[smem:$0x3FAF] =	sst s1  }
0xa: {  	[smem:$0x3FB0] =	sst s2  }
0xb: {  	[smem:$0x3FB1] =	sst s3  }
0xc: {  	[smem:$0x3FB2] =	sst s4  }
0xd: {  	[smem:$0x3FB3] =	sst s5  }
0xe: {  	[smem:$0x3FB4] =	sst s6  }
0xf: {  	[smem:$0x3FB5] =	sst s7  }
0x10: {  	[smem:$0x3FB6] =	sst s8  }
0x11: {  	[smem:$0x3FB7] =	sst s9;
	s0 =	simm.s32 @!p0 $0x0  }
0x12: {  	s1 =	sld [smem:$0x3F9D];
	s0 =	simm.s32 @p0 $0x1  }
0x13: {  	[smem:$0x3FB8] =	sst s0;
	s0 =	simm.s32 @!p1 $0x0  }
0x14: {  	s2 =	sld [smem:$0x3F9C];
	s0 =	simm.s32 @p1 $0x1  }
0x15: {  	[smem:$0x3FB9] =	sst s0;
	s0 =	simm.s32 @!p2 $0x0  }
0x16: {  	s3 =	sld [smem:$0x3FDB];
	s0 =	simm.s32 @p2 $0x1  }
0x17: {  	s4 =	simm.s32 $0x1BF5;
	[smem:$0x3FBB] =	sst s0  }
0x18: {  	s0 =	sld [smem:$0x3F9E];
	_ =	swait.ge [sflag:s4], $0x0  }
0x19: {  	s7 =	sld [smem:$0x3F9F]  }
0x1a: {  	s8 =	sadd.s32 $0xFFFFE003, lr  }
0x1b: {  	s9 =	sadd.s32 $0xFFFFFEF7, lr;
	s5 =	simm.s32 $0xFFFFFFFF;
	p2 =	slt.u32 s8, $0xFFFFF086  }
0x1c: {  	p1 =	slt.u32 s9, $0xF7A;
	s5 =	simm.s32 @!p2 $0x0  }
0x1d: {  	s5 =	simm.s32 @p1 $0x1;
	p0 =	seq.s32 s7, s2  }
0x1e: {  	s7 =	smul.u32 @!p0 $0xF7A, s2;
	p2 =	seq.s32 @!p0 s5, $0x0  }
0x1f: {  	s9 =	smul.u32 $0xF7A, s1;
	s8 =	simm.s32 @!p0 $0x1BF5;
	p2 =	por !p2, p0  }
0x20: {  	[sflag:s8] =	ssyncset.s32 @!p0 $0xFFFFF086;
	s6 =	sadd.s32 @!p0 s3, s7;
	s7 =	simm.s32 @!p0 $0x108  }
0x21: {  	s3 =	sadd.s32 s3, s9;
	s6 =	sadd.s32 @!p0 $0x88, s6;
	s7 =	simm.s32 @p2 $0x1082  }
0x22: {  	[simem:s7], [sflag:s8] =	dma.local @!p0 [hbm:s6], $0xF7A  }
0x23: {  	s9 =	sor.u32 $0xD0000000, s2;
	s6 =	simm.s32 $0x108;
	_ =	swait.ge @!p0 [sflag:s8], $0x0  }
0x24: {  	s3 =	sadd.s32 $0x88, s3;
	s6 =	simm.s32 @!p1 $0x1082;
	[sflag:s4] =	ssyncset.s32 $0xFFFFF086  }
0x25: {  	[simem:s6], [sflag:s4] =	dma.local [hbm:s3], $0xF7A  }
0x26: {  	[smem:$0x3F9F] =	sst s1;
	(tag) =	ssettag s2;
	_ =	strace s9  }
0x27: {  	s1 =	sld [smem:$0x3FAF]  }
0x28: {  	s2 =	sld [smem:$0x3FB0]  }
0x29: {  	s4 =	sld [smem:$0x3FB2]  }
0x2a: {  	p0 =	seq.s32 s5, $0x0;
	s5 =	sld [smem:$0x3FB3]  }
0x2b: {  	s6 =	sld [smem:$0x3FB4]  }
0x2c: {  	s7 =	sld [smem:$0x3FB5]  }
0x2d: {  	s3 =	simm.s32 $0x108;
	s8 =	sld [smem:$0x3FB6]  }
0x2e: {  	s3 =	simm.s32 @!p0 $0x1082;
	s9 =	sld [smem:$0x3FB7]  }
0x2f: {  	lr =	sadd.s32 s0, s3;
	s0 =	sld [smem:$0x3FAE]  }
0x30: {  	s3 =	sld [smem:$0x3FB1]  }
0x31: {  	[smem:$0x3FBA] =	sst s10  }
0x32: {  	s10 =	sld [smem:$0x3FB8];
	_ =	sdelay $0x3  }
0x33: {  	p0 =	seq.s32 s10, $0x1;
	s10 =	sld [smem:$0x3FBA];
	_ =	sdelay $0x3  }
0x34: {  	[smem:$0x3FBA] =	sst s10  }
0x35: {  	s10 =	sld [smem:$0x3FB9];
	_ =	sdelay $0x3  }
0x36: {  	p1 =	seq.s32 s10, $0x1;
	s10 =	sld [smem:$0x3FBA];
	_ =	sdelay $0x3  }
0x37: {  	[smem:$0x3FBA] =	sst s10  }
0x38: {  	s10 =	sld [smem:$0x3FBB]  }
0x39: {  	_ = 	snop;
	(pc) =	sbr.ind lr, $3  }
0x3a: {  	_ = 	snop  }
0x3b: {  	_ = 	snop  }
0x3c: {  	p2 =	seq.s32 s10, $0x1;
	s10 =	sld [smem:$0x3FBA]  }
0x3d: {  	_ =	shalt  }
0x3e: {  	_ =	shalt  }
0x3f: {  	_ =	shalt  }
0x40: {  	_ =	shalt  }
0x41: {  	_ =	shalt  }
0x42: {  	_ =	shalt  }
0x43: {  	_ =	shalt  }
0x44: {  	_ =	shalt  }
0x45: {  	_ =	shalt  }
0x46: {  	_ =	shalt  }
0x47: {  	_ =	shalt  }
0x48: {  	_ =	shalt  }
0x49: {  	_ =	shalt  }
0x4a: {  	_ =	shalt  }
0x4b: {  	_ =	shalt  }
0x4c: {  	_ =	shalt  }
0x4d: {  	_ =	shalt  }
0x4e: {  	_ =	shalt  }
0x4f: {  	_ =	shalt  }
0x50: {  	_ =	shalt  }
0x51: {  	_ =	shalt  }
0x52: {  	_ =	shalt  }
0x53: {  	_ =	shalt  }
0x54: {  	_ =	shalt  }
0x55: {  	_ =	shalt  }
0x56: {  	_ =	shalt  }
0x57: {  	_ =	shalt  }
0x58: {  	_ =	shalt  }
0x59: {  	_ =	shalt  }
0x5a: {  	_ =	shalt  }
0x5b: {  	_ =	shalt  }
0x5c: {  	_ =	shalt  }
0x5d: {  	_ =	shalt  }
0x5e: {  	_ =	shalt  }
0x5f: {  	_ =	shalt  }
0x60: {  	_ =	shalt  }
0x61: {  	_ =	shalt  }
0x62: {  	_ =	shalt  }
0x63: {  	_ =	shalt  }
0x64: {  	_ =	shalt  }
0x65: {  	_ =	shalt  }
0x66: {  	_ =	shalt  }
0x67: {  	_ =	shalt  }
0x68: {  	_ =	shalt  }
0x69: {  	_ =	shalt  }
0x6a: {  	_ =	shalt  }
0x6b: {  	_ =	shalt  }
0x6c: {  	_ =	shalt  }
0x6d: {  	_ =	shalt  }
0x6e: {  	_ =	shalt  }
0x6f: {  	_ =	shalt  }
0x70: {  	_ =	shalt  }
0x71: {  	_ =	shalt  }
0x72: {  	_ =	shalt  }
0x73: {  	_ =	shalt  }
0x74: {  	_ =	shalt  }
0x75: {  	_ =	shalt  }
0x76: {  	_ =	shalt  }
0x77: {  	_ =	shalt  }
0x78: {  	_ =	shalt  }
0x79: {  	_ =	shalt  }
0x7a: {  	_ =	shalt  }
0x7b: {  	_ =	shalt  }
0x7c: {  	_ =	shalt  }
0x7d: {  	_ =	shalt  }
0x7e: {  	_ =	shalt  }
0x7f: {  	_ =	shalt  }
0x80: {  	_ =	shalt  }
0x81: {  	_ =	shalt  }
0x82: {  	_ =	shalt  }
0x83: {  	_ =	shalt  }
0x84: {  	_ =	shalt  }
0x85: {  	_ =	shalt  }
0x86: {  	_ =	shalt  }
0x87: {  	_ =	shalt  }
.Lfunc_end0:
.L_simem_size_0:
called_computation_lowered:
.L_overlay_start_0:
0x88: {  	s2 =	sld [smem:$0x3FD9]  }
0x89: {  	s3 =	sld [smem:$0x3FFE];
	_ =	sdelay $0x1  }
0x8a: {  	s1 =	srdreg.scid  }
0x8b: {  	s0 =	sand.u32 $0x1, s1  }
0x8c: {  	s17 =	sshll.u32 s0, $0xA;
	s2 =	sadd.s32 s3, s2  }
0x8d: {  	s2 =	sadd.s32 s2, s17  }
0x8e: {  	[smem:$0x3FC6] =	sst s2  }
0x8f: {  	_ = 	snop  }
0x90: {  	s2 =	sld [smem:$0x3FC9]  }
0x91: {  	s18 =	sld [smem:$0x3FD0];
	(tm) =	ssettm $0x1  }
0x92: {  	s4 =	sld [smem:$0x3FFB];
	_ =	sdelay $0x3  }
0x93: {  	_ =	strace s4  }
0x94: {  	s4 =	sld [smem:$0x3FFC];
	_ =	sdelay $0x3  }
0x95: {  	_ =	strace s4  }
0x96: {  	s4 =	sld [smem:$0x3FFD];
	_ =	sdelay $0x3  }
0x97: {  	_ =	strace s4  }
0x98: {  	_ =	strace $0x8FFFFFFF  }
0x99: {  	s19 =	sld [smem:$0x3FDB];
	_ =	sdelay $0x1  }
0x9a: {  	s5 =	simm.s32 $_scs_section_size  }
0x9b: {  	s6 =	simm.s32 $_size__tile_overlayer_lowered;
	s7 =	simm.s32 $_tile_overlayer_lowered  }
0x9c: {  	s22 =	simm.s32 $0x1BFF;
	s21 =	sshll.u32 s7, $0x1;
	s4 =	sadd.s32 s5, s19  }
0x9d: {  	s8 =	simm.s32 $0x0;
	s20 =	sshll.u32 s6, $0x1;
	s6 =	sadd.s32 s21, s4  }
0x9e: {  	[timem:s8], [sflag:s22] =	dma.local [hbm:s6], s20  }
0x9f: {  	_ =	swait.ge [sflag:s22], s20  }
0xa0: {  	s5 =	ssub.s32 $0x0, s20;
	[sflag:s22] =	ssyncset.done $0x0  }
0xa1: {  	[sflag:s22] =	ssyncadd.s32 s5;
	_ =	sdelay $0x1  }
0xa2: {  	s23 =	simm.s32 $0x1B8B  }
0xa3: {  	_ =	swait.ge [sflag:s23], $0x1  }
0xa4: {  	[sflag:s23] =	ssyncset.done $0x0  }
0xa5: {  	s25 =	simm.s32 $0x1B8E;
	s24 =	sld [smem:$0x3FFE];
	[sflag:s23] =	ssyncadd.s32 $0xFFFFFFFF  }
0xa6: {  	s26 =	simm.s32 $execute0_lowered;
	[smem:$0x3FD2] =	sst s25  }
0xa7: {  	s6 =	sshll.u32 s26, $0x1;
	_ =	strace $0x80000046;
	[dreg:$0x1] =	wrdreg $0xFFFFFFFF  }
0xa8: {  	s28 =	simm.s32 $_size_execute0_lowered;
	s4 =	sadd.s32 s4, s6;
	[dreg:$0x0] =	wrdreg $0x0  }
0xa9: {  	s6 =	sshll.u32 s28, $0x1;
	[dreg:$0x2] =	wrdreg s4  }
0xaa: {  	[dreg:$0x3] =	wrdreg s6  }
0xab: {  	[dreg:$0x4] =	wrdreg $0xC0  }
0xac: {  	_ =	task [dreg:s8], $0x5FFFF  }
0xad: {  	[dreg:$0x1] =	wrdreg $0xFFFFFFFF  }
0xae: {  	[dreg:$0x0] =	wrdreg $0x60  }
0xaf: {  	[dreg:$0x2] =	wrdreg s2  }
0xb0: {  	[dreg:$0x3] =	wrdreg s24  }
0xb1: {  	[dreg:$0x4] =	wrdreg s18  }
0xb2: {  	[dreg:$0x5] =	wrdreg $0x9  }
0xb3: {  	_ =	task.clear_ibuf [dreg:s8], $0x6FFFF;
	_ =	strace $0x90000046  }
0xb4: {  	s29 =	simm.s32 $0x9;
	_ =	strace $0x80000048  }
0xb5: {  	_ =	swait.ge [sflag:s29], $0x1  }
0xb6: {  	[sflag:s29] =	ssyncadd.s32 $0xFFFFFFFF  }
0xb7: {  	_ =	strace $0x90000048  }
0xb8: {  	_ =	sfence  }
0xb9: {  	s30 =	sld [smem:$0x0];
	_ =	sdelay $0x2  }
0xba: {  	s31 =	sshll.u32 s1, $0xD;
	s1 =	sshrl.u32 s1, $0x2  }
0xbb: {  	s3 =	sand.u32 $0x4000, s31;
	s1 =	sadd.s32 s1, s30  }
0xbc: {  	s0 =	sor.u32 s3, s0;
	s1 =	sshll.u32 s1, $0x11  }
0xbd: {  	s0 =	sor.u32 s1, s0  }
0xbe: {  	s0 =	sadd.s32 $0x8F2B, s0  }
0xbf: {  	[sflag:s0] =	ssyncadd.remote.s32 $0x1  }
0xc0: {  	_ =	sfence.sel $0xFFFF  }
0xc1: {  	[dreg:$0x0] =	wrdreg $0xFFFFFFFF;
	(pc) =	sbr.abs _section_cstart, $3  }
0xc2: {  	[dreg:$0x1] =	wrdreg $0xFFFFFFFF  }
0xc3: {  	_ =	task.clear_ibuf [dreg:s8], $0x2FFFF;
	_ =	strace $0x9FFFFFFF  }
0xc4: {  	(tm) =	ssettm $0x7FFFFFFF  }
0xc5: {  	_ =	shalt  }
tec
execute0_lowered:
.L_overlay_start_1:
0x0: {  	(tag) =	ssettag $0x1  }
0x1: {  	s0 =	rddreg [dreg:$0x0]  }
0x2: {  	s2 =	rddreg [dreg:$0x1]  }
0x3: {  	s1 =	rddreg [dreg:$0x2];
	s3 =	simm.s32 $0x0;
	s4 =	srdreg.scid  }
0x4: {  	s5 =	stileid.u32;
	s11 =	simm.s32 $0x400;
	s12 =	simm.s32 $0x8000  }
0x5: {  	s13 =	simm.s32 $0x7;
	s14 =	simm.s32 $0x80;
	s15 =	simm.s32 $0x6400  }
0x6: {  	s20 =	simm.s32 $0x12400;
	s21 =	simm.s32 $0x1;
	s22 =	simm.s32 $0x16400  }
0x7: {  	s23 =	simm.s32 $0x2;
	s24 =	simm.s32 $0x6;
	s25 =	simm.s32 $0x18400  }
0x8: {  	s28 =	simm.s32 $0x5;
	s29 =	simm.s32 $0x4;
	s30 =	simm.s32 $0x0  }
0x9: {  	[smem:$0x7FF] =	sst s3;
	s4 =	sand.u32 $0x1, s4;
	s5 =	sshll.u32 s5, $0xB  }
.Ltmp0:
0xa: {  	s8 =	sadd.s32 $0x10000, s1;
	s9 =	sadd.s32 $0x18000, s1;
	(pc) =	sbr.rel .LBB2_1-.Ltmp0, $4  }
0xb: {  	v0 =	vlaneseq.u32;
	s6 =	ssub.s32 $0x2, s4;
	s4 =	sshll.u32 s4, $0xA;
	_ =	strace $0x80000047  }
0xc: {  	v0 =	vmul.u32 $0x80, v0;
	s7 =	sshrl.u32 s6, $0x1;
	s4 =	sor.u32 s4, s5;
	s5 =	sadd.s32 $0xF42800, s2  }
0xd: {  	s26 =	ssub.s32 s6, s7;
	s31 =	sshrl.u32 s4, $0x3;
	s7 =	sadd.s32 $0x8000, s1  }
0xe: {  	v1 =	vor.u32 $0x800, v0;
	v2 =	vor.u32 $0x1000, v0;
	v3 =	vor.u32 $0x1800, v0;
	s6 =	sadd.s32 s0, s31;
	s10 =	smax.u32 s26, $0x1;
	s26 =	simm.s32 $0x3  }
.LBB2_16:
0xf: {  	s30 =	sadd.s32 $0x1, s30  }
0x10: {  	_ =	swait.ge [sflag:s28], $0x2000;
	p0 =	sne.s32 s30, s10  }
.Ltmp1:
0x11: {  	[sflag:s28] =	ssyncset.done $0x0;
	(pc) =	sbr.rel @!p0 .LBB2_17-.Ltmp1, $4  }
0x12: {  	[sflag:s28] =	ssyncadd.s32 $0xFFFFE000  }
0x13: {  	_ =	swait.ge [sflag:s24], $0x2000  }
0x14: {  	[sflag:s24] =	ssyncset.done $0x0  }
0x15: {  	[sflag:s24] =	ssyncadd.s32 $0xFFFFE000  }
.LBB2_1:
0x16: {  	[tilespmem:s3], [sflag:$0x7] =	stream.strided.gather [hbm4b:s6+s11], $0x6400, s12, s11, $0x38;
	[tilespmem:$0x1A400] =	vst v63  }
0x17: {  	_ =	swait.ge [sflag:s13], $0x6400  }
0x18: {  	[sflag:s13] =	ssyncset.done $0x0  }
0x19: {  	[sflag:s13] =	ssyncadd.s32 $0xFFFF9C00  }
0x1a: {  	[tilespmem:s15], [sflag:$0x1] =	stream.indirect.gather [hbm4b:s5+s14], $0x80, s3, s14, $0xb8;
	[tilespmem:$0x1A400] =	vst v63  }
0x1b: {  	s0 =	simm.s32 $0xA400  }
0x1c: {  	[tilespmem:s0], [sflag:$0x2] =	stream.indirect.gather [hbm4b:s5+s14], $0x80, s14, s14, $0xb8;
	[tilespmem:$0x1A400] =	vst v63  }
0x1d: {  	s18 =	simm.s32 $0x100;
	s2 =	simm.s32 $0xE400  }
0x1e: {  	[tilespmem:s2], [sflag:$0x3] =	stream.indirect.gather [hbm4b:s5+s14], $0x80, s18, s14, $0xb8;
	[tilespmem:$0x1A400] =	vst v63  }
0x1f: {  	s19 =	simm.s32 $0x180;
	s31 =	simm.s32 $0x0  }
0x20: {  	[tilespmem:s20], [sflag:$0x4] =	stream.indirect.gather [hbm4b:s5+s14], $0x80, s19, s14, $0xb8;
	[tilespmem:$0x1A400] =	vst v63  }
.LBB2_2:
0x21: {  	_ =	swait.ge [sflag:s21], $0x4000  }
0x22: {  	p0 =	seq.s32 s31, $0x0;
	[sflag:s21] =	ssyncset.done $0x0  }
0x23: {  	s0 =	simm.s32 @!p0 $0x5;
	[sflag:s21] =	ssyncadd.s32 $0xFFFFC000  }
0x24: {  	s2 =	simm.s32 $0x3;
	_ =	swait.ge @!p0 [sflag:s0], $0x2000  }
0x25: {  	v4 =	vmov s2;
	[sflag:s0] =	ssyncset.done @!p0 $0x0  }
0x26: {  	s2 =	simm.s32 $0x6500;
	v4 =	vand.u32 $0x7F, v4;
	[sflag:s0] =	ssyncadd.s32 @!p0 $0xFFFFE000  }
0x27: {  	s17 =	simm.s32 $0x1;
	v11 =	vbroadcast v4, $0x0;
	v5 =	vld [tilespmem:s2+$0x80]  }
0x28: {  	s18 =	simm.s32 $0x2;
	v4 =	vmov s17  }
0x29: {  	v6 =	vmov s18;
	v4 =	vand.u32 $0x7D, v4;
	v9 =	vor.u32 v0, v11  }
0x2a: {  	s19 =	simm.s32 $0x0;
	v7 =	vand.u32 $0x7E, v6;
	v6 =	vbroadcast v4, $0x0;
	v10 =	vld [tilespmem:s2+$0xFFFFFF80]  }
0x2b: {  	v8 =	vbroadcast v7, $0x0;
	v4 =	vmov s19  }
0x2c: {  	v12 =	vld [tilespmem:s2+$0x0];
	v4 =	vand.u32 $0x7C, v4;
	v13 =	vor.u32 v0, v6;
	v5 =	vmul.f32 $8.000000000e+00, v5  }
0x2d: {  	v7 =	vbroadcast v4, $0x0;
	v4 =	vld [tilespmem:s2+$0xFFFFFF00]  }
0x2e: {  	v14 =	vor.u32 v0, v8;
	[tilespmem:v9+s22+$0x0] =	vst.idx.msk $0xffff, v5  }
0x2f: {  	v5 =	vor.u32 v0, v7;
	v9 =	vmul.f32 $8.000000000e+00, v10;
	v10 =	vld [tilespmem:s2+$0x90];
	_ =	sdelay $0x1  }
0x30: {  	v12 =	vmul.f32 $8.000000000e+00, v12;
	[tilespmem:v13+s22+$0x0] =	vst.idx.msk $0xffff, v9;
	v9 =	vor.u32 v1, v11  }
0x31: {  	s18 =	simm.s32 $0x6;
	v4 =	vmul.f32 $8.000000000e+00, v4;
	v13 =	vld [tilespmem:s2+$0xFFFFFF90]  }
0x32: {  	s16 =	simm.s32 $0x4;
	v17 =	vmov s18;
	s17 =	simm.s32 $0x7;
	[tilespmem:v14+s22+$0x0] =	vst.idx.msk $0xffff, v12  }
0x33: {  	v12 =	vmov s16;
	v14 =	vld [tilespmem:s2+$0x10];
	[tilespmem:v5+s22+$0x0] =	vst.idx.msk $0xffff, v4;
	v5 =	vmul.f32 $8.000000000e+00, v10;
	v10 =	vmov s17  }
0x34: {  	s0 =	simm.s32 $0x6700;
	v16 =	vor.u32 v1, v6;
	v4 =	vand.u32 $0x7C, v12;
	v12 =	vld [tilespmem:s2+$0xFFFFFF10];
	v10 =	vand.u32 $0x7F, v10  }
0x35: {  	v17 =	vand.u32 $0x7E, v17;
	v18 =	vor.u32 v1, v8;
	v19 =	vld [tilespmem:s0+$0x80];
	s16 =	simm.s32 $0x5;
	[tilespmem:v9+s22+$0x0] =	vst.idx.msk $0xffff, v5;
	v5 =	vbroadcast v10, $0x0  }
0x36: {  	v20 =	vor.u32 v1, v7;
	v15 =	vmov s16;
	v10 =	vmul.f32 $8.000000000e+00, v13;
	v13 =	vld [tilespmem:s2+$0xA0]  }
0x37: {  	v4 =	vbroadcast v4, $0x0;
	v9 =	vand.u32 $0x7D, v15;
	v15 =	vld [tilespmem:s0+$0xFFFFFF00];
	v21 =	vor.u32 v0, v5  }
0x38: {  	v23 =	vor.u32 v2, v11;
	v22 =	vld [tilespmem:s0+$0xFFFFFF80];
	v14 =	vmul.f32 $8.000000000e+00, v14;
	v9 =	vbroadcast v9, $0x0  }
0x39: {  	v24 =	vld [tilespmem:s0+$0x0];
	[tilespmem:v16+s22+$0x0] =	vst.idx.msk $0xffff, v10;
	v16 =	vor.u32 v0, v4;
	v10 =	vbroadcast v17, $0x0;
	v12 =	vmul.f32 $8.000000000e+00, v12  }
0x3a: {  	[tilespmem:v18+s22+$0x0] =	vst.idx.msk $0xffff, v14;
	v17 =	vmul.f32 $8.000000000e+00, v19;
	v14 =	vor.u32 v0, v9;
	v18 =	vld [tilespmem:s2+$0xFFFFFFA0]  }
0x3b: {  	[tilespmem:v20+s22+$0x0] =	vst.idx.msk $0xffff, v12;
	v12 =	vor.u32 v0, v10;
	v20 =	vld [tilespmem:s2+$0x20];
	v13 =	vmul.f32 $8.000000000e+00, v13  }
0x3c: {  	v26 =	vor.u32 v2, v6;
	v15 =	vmul.f32 $8.000000000e+00, v15;
	v25 =	vld [tilespmem:s2+$0xFFFFFF20];
	[tilespmem:v21+s22+$0x0] =	vst.idx.msk $0xffff, v17  }
0x3d: {  	v28 =	vor.u32 v2, v8;
	v19 =	vmul.f32 $8.000000000e+00, v22;
	v27 =	vld [tilespmem:s0+$0x90];
	[tilespmem:v23+s22+$0x0] =	vst.idx.msk $0xffff, v13  }
0x3e: {  	v29 =	vor.u32 v2, v7;
	v22 =	vor.u32 v1, v9;
	[tilespmem:v16+s22+$0x0] =	vst.idx.msk $0xffff, v15;
	v15 =	vmul.f32 $8.000000000e+00, v24;
	v30 =	vld [tilespmem:s2+$0xB0]  }
0x3f: {  	s19 =	simm.s32 $0x8;
	s17 =	simm.s32 $0x9;
	v21 =	vor.u32 v3, v11;
	v17 =	vld [tilespmem:s0+$0xFFFFFF10];
	[tilespmem:v14+s22+$0x0] =	vst.idx.msk $0xffff, v19;
	v19 =	vor.u32 v1, v5;
	v14 =	vmul.f32 $8.000000000e+00, v18  }
0x40: {  	v13 =	vmov s19;
	v18 =	vmov s17;
	v16 =	vld [tilespmem:s0+$0xFFFFFF90];
	[tilespmem:v12+s22+$0x0] =	vst.idx.msk $0xffff, v15;
	v15 =	vmul.f32 $8.000000000e+00, v20  }
0x41: {  	s18 =	simm.s32 $0xA;
	v13 =	vand.u32 $0x7C, v13;
	v20 =	vor.u32 v1, v4;
	[tilespmem:v26+s22+$0x0] =	vst.idx.msk $0xffff, v14;
	v12 =	vld [tilespmem:s0+$0x10];
	v25 =	vmul.f32 $8.000000000e+00, v25  }
0x42: {  	v23 =	vmov s18;
	s19 =	simm.s32 $0xB;
	v11 =	vbroadcast v13, $0x0;
	v13 =	vld [tilespmem:s2+$0xFFFFFFB0];
	[tilespmem:v28+s22+$0x0] =	vst.idx.msk $0xffff, v15;
	v24 =	vmul.f32 $8.000000000e+00, v27  }
0x43: {  	s16 =	simm.s32 $0xC;
	v26 =	vmov s19;
	v14 =	vor.u32 v1, v10;
	[tilespmem:v29+s22+$0x0] =	vst.idx.msk $0xffff, v25;
	v15 =	vld [tilespmem:s2+$0x30];
	v25 =	vmul.f32 $8.000000000e+00, v30  }
.LBB2_3:
0x44: {  	p1 =	slt.u32 s16, $0x7C;
	v26 =	vand.u32 $0x7F, v26;
	v17 =	vmul.f32 $8.000000000e+00, v17;
	[tilespmem:v19+s22+$0x0] =	vst.idx.msk $0xffff, v24;
	v19 =	vld [tilespmem:s2+$0xFFFFFF30];
	v24 =	vor.u32 v3, v6;
	v6 =	vmovc v9;
	s2 =	smov.u32 s0;
	s0 =	sadd.s32 $0x200, s0  }
0x45: {  	v27 =	vld [tilespmem:s0+$0x80];
	v26 =	vbroadcast v26, $0x0;
	v9 =	vmul.f32 $8.000000000e+00, v16;
	v16 =	vor.u32 v3, v8;
	[tilespmem:v21+s22+$0x0] =	vst.idx.msk $0xffff, v25;
	v8 =	vmovc v10  }
0x46: {  	v10 =	vand.u32 $0x7D, v18;
	v18 =	vor.u32 v3, v7;
	v7 =	vmovc v4;
	[tilespmem:v20+s22+$0x0] =	vst.idx.msk $0xffff, v17;
	v12 =	vmul.f32 $8.000000000e+00, v12;
	v17 =	vld [tilespmem:s2+$0xA0]  }
0x47: {  	v21 =	vand.u32 $0x7E, v23;
	v4 =	vmovc v11;
	v20 =	vld [tilespmem:s0+$0xFFFFFF00];
	v23 =	vor.u32 v0, v26;
	[tilespmem:v22+s22+$0x0] =	vst.idx.msk $0xffff, v9;
	v13 =	vmul.f32 $8.000000000e+00, v13  }
0x48: {  	v9 =	vbroadcast v10, $0x0;
	v11 =	vld [tilespmem:s0+$0xFFFFFF80];
	[tilespmem:v14+s22+$0x0] =	vst.idx.msk $0xffff, v12;
	v12 =	vor.u32 v2, v5;
	v14 =	vmul.f32 $8.000000000e+00, v15  }
0x49: {  	v10 =	vbroadcast v21, $0x0;
	v15 =	vor.u32 v0, v4;
	v22 =	vld [tilespmem:s0+$0x0];
	v19 =	vmul.f32 $8.000000000e+00, v19;
	[tilespmem:v24+s22+$0x0] =	vst.idx.msk $0xffff, v13  }
0x4a: {  	v13 =	vor.u32 v0, v9;
	v21 =	vmul.f32 $8.000000000e+00, v27;
	v24 =	vld [tilespmem:s2+$0xFFFFFFA0];
	[tilespmem:v16+s22+$0x0] =	vst.idx.msk $0xffff, v14  }
0x4b: {  	v14 =	vor.u32 v0, v10;
	v25 =	vld [tilespmem:s2+$0x20];
	v16 =	vmul.f32 $8.000000000e+00, v17;
	[tilespmem:v18+s22+$0x0] =	vst.idx.msk $0xffff, v19  }
0x4c: {  	v28 =	vor.u32 v2, v6;
	v17 =	vmul.f32 $8.000000000e+00, v20;
	[tilespmem:v23+s22+$0x0] =	vst.idx.msk $0xffff, v21;
	v27 =	vld [tilespmem:s2+$0xFFFFFF20]  }
0x4d: {  	v30 =	vor.u32 v2, v8;
	v11 =	vmul.f32 $8.000000000e+00, v11;
	v29 =	vld [tilespmem:s0+$0x90];
	[tilespmem:v12+s22+$0x0] =	vst.idx.msk $0xffff, v16  }
0x4e: {  	v31 =	vor.u32 v2, v7;
	v12 =	vmov s16;
	[tilespmem:v15+s22+$0x0] =	vst.idx.msk $0xffff, v17;
	v15 =	vmul.f32 $8.000000000e+00, v22;
	v32 =	vld [tilespmem:s2+$0xB0]  }
.Ltmp2:
0x4f: {  	s17 =	sadd.s32 $0x1, s16;
	v19 =	vor.u32 v1, v26;
	v22 =	vand.u32 $0x7C, v12;
	v17 =	vld [tilespmem:s0+$0xFFFFFF10];
	[tilespmem:v13+s22+$0x0] =	vst.idx.msk $0xffff, v11;
	v11 =	vmul.f32 $8.000000000e+00, v24;
	(pc) =	sbr.rel @p1 .LBB2_3-.Ltmp2, $4  }
0x50: {  	v18 =	vmov s17;
	s17 =	sadd.s32 $0x2, s16;
	v21 =	vor.u32 v3, v5;
	v5 =	vmovc v26;
	v16 =	vld [tilespmem:s0+$0xFFFFFF90];
	[tilespmem:v14+s22+$0x0] =	vst.idx.msk $0xffff, v15;
	v14 =	vmul.f32 $8.000000000e+00, v25  }
0x51: {  	v23 =	vmov s17;
	v20 =	vor.u32 v1, v4;
	v12 =	vld [tilespmem:s0+$0x10];
	v15 =	vmul.f32 $8.000000000e+00, v27;
	[tilespmem:v28+s22+$0x0] =	vst.idx.msk $0xffff, v11  }
0x52: {  	s17 =	sadd.s32 $0x3, s16;
	v11 =	vbroadcast v22, $0x0;
	v22 =	vor.u32 v1, v9;
	v24 =	vmul.f32 $8.000000000e+00, v29;
	v13 =	vld [tilespmem:s2+$0xFFFFFFB0];
	[tilespmem:v30+s22+$0x0] =	vst.idx.msk $0xffff, v14  }
0x53: {  	v26 =	vmov s17;
	s16 =	sadd.s32 $0x4, s16;
	v14 =	vor.u32 v1, v10;
	[tilespmem:v31+s22+$0x0] =	vst.idx.msk $0xffff, v15;
	v15 =	vld [tilespmem:s2+$0x30];
	v25 =	vmul.f32 $8.000000000e+00, v32  }
0x54: {  	v26 =	vand.u32 $0x7F, v26;
	s16 =	sadd.s32 $0x200, s0  }
0x55: {  	v18 =	vand.u32 $0x7D, v18;
	v27 =	vld [tilespmem:s16+$0x80];
	v26 =	vbroadcast v26, $0x0  }
0x56: {  	v28 =	vld [tilespmem:s16+$0xFFFFFF80];
	v18 =	vbroadcast v18, $0x0  }
0x57: {  	v23 =	vand.u32 $0x7E, v23;
	v47 =	vld [tilespmem:s16+$0xFFFFFF00];
	v29 =	vor.u32 v0, v26  }
0x58: {  	v17 =	vmul.f32 $8.000000000e+00, v17;
	[tilespmem:v19+s22+$0x0] =	vst.idx.msk $0xffff, v24;
	v30 =	vld [tilespmem:s16+$0x0];
	v23 =	vbroadcast v23, $0x0;
	v48 =	vor.u32 v0, v18  }
0x59: {  	v50 =	vor.u32 v0, v11;
	[tilespmem:v21+s22+$0x0] =	vst.idx.msk $0xffff, v25;
	v16 =	vmul.f32 $8.000000000e+00, v16  }
0x5a: {  	[tilespmem:v20+s22+$0x0] =	vst.idx.msk $0xffff, v17;
	v49 =	vor.u32 v0, v23;
	v51 =	vmul.f32 $8.000000000e+00, v27  }
0x5b: {  	[tilespmem:v22+s22+$0x0] =	vst.idx.msk $0xffff, v16;
	v52 =	vmul.f32 $8.000000000e+00, v28  }
0x5c: {  	v53 =	vld [tilespmem:s2+$0xFFFFFF30];
	v6 =	vor.u32 v3, v6;
	v19 =	vmul.f32 $8.000000000e+00, v47;
	[tilespmem:v29+s22+$0x0] =	vst.idx.msk $0xffff, v51  }
0x5d: {  	v8 =	vor.u32 v3, v8;
	v54 =	vmul.f32 $8.000000000e+00, v30;
	[tilespmem:v48+s22+$0x0] =	vst.idx.msk $0xffff, v52;
	v55 =	vld [tilespmem:s16+$0x90]  }
0x5e: {  	v7 =	vor.u32 v3, v7;
	v12 =	vmul.f32 $8.000000000e+00, v12;
	[tilespmem:v50+s22+$0x0] =	vst.idx.msk $0xffff, v19;
	v16 =	vld [tilespmem:s16+$0xFFFFFF90]  }
0x5f: {  	v13 =	vmul.f32 $8.000000000e+00, v13;
	v56 =	vor.u32 v1, v26;
	[tilespmem:v49+s22+$0x0] =	vst.idx.msk $0xffff, v54;
	v59 =	vld [tilespmem:s16+$0xFFFFFF10]  }
0x60: {  	v60 =	vor.u32 v1, v18;
	[tilespmem:v14+s22+$0x0] =	vst.idx.msk $0xffff, v12;
	v58 =	vmul.f32 $8.000000000e+00, v15;
	v57 =	vld [tilespmem:s16+$0x10]  }
0x61: {  	v61 =	vld [tilespmem:s0+$0xA0];
	v20 =	vmul.f32 $8.000000000e+00, v53;
	[tilespmem:v6+s22+$0x0] =	vst.idx.msk $0xffff, v13;
	v28 =	vor.u32 v1, v11  }
0x62: {  	v62 =	vor.u32 v1, v23;
	v63 =	vld [tilespmem:s0+$0xFFFFFFA0];
	[tilespmem:v8+s22+$0x0] =	vst.idx.msk $0xffff, v58;
	v29 =	vmul.f32 $8.000000000e+00, v55  }
0x63: {  	v31 =	vld [tilespmem:s0+$0x20];
	v30 =	vor.u32 v2, v5;
	[tilespmem:v7+s22+$0x0] =	vst.idx.msk $0xffff, v20;
	v32 =	vmul.f32 $8.000000000e+00, v16  }
0x64: {  	v34 =	vor.u32 v2, v9;
	v33 =	vld [tilespmem:s0+$0xFFFFFF20];
	v14 =	vmul.f32 $8.000000000e+00, v59;
	[tilespmem:v56+s22+$0x0] =	vst.idx.msk $0xffff, v29  }
0x65: {  	v36 =	vor.u32 v2, v10;
	v35 =	vmul.f32 $8.000000000e+00, v57;
	[tilespmem:v60+s22+$0x0] =	vst.idx.msk $0xffff, v32;
	v37 =	vld [tilespmem:s16+$0xA0]  }
0x66: {  	v39 =	vor.u32 v2, v4;
	v38 =	vmul.f32 $8.000000000e+00, v61;
	[tilespmem:v28+s22+$0x0] =	vst.idx.msk $0xffff, v14;
	v40 =	vld [tilespmem:s16+$0xFFFFFFA0]  }
0x67: {  	v42 =	vor.u32 v2, v26;
	v41 =	vmul.f32 $8.000000000e+00, v63;
	[tilespmem:v62+s22+$0x0] =	vst.idx.msk $0xffff, v35;
	v14 =	vld [tilespmem:s16+$0xFFFFFF20]  }
0x68: {  	v45 =	vor.u32 v2, v18;
	v44 =	vmul.f32 $8.000000000e+00, v31;
	[tilespmem:v30+s22+$0x0] =	vst.idx.msk $0xffff, v38;
	v43 =	vld [tilespmem:s16+$0x20]  }
0x69: {  	v48 =	vor.u32 v2, v11;
	[tilespmem:v34+s22+$0x0] =	vst.idx.msk $0xffff, v41;
	v22 =	vld [tilespmem:s0+$0xB0];
	v16 =	vmul.f32 $8.000000000e+00, v33  }
0x6a: {  	v46 =	vor.u32 v2, v23;
	v20 =	vld [tilespmem:s0+$0xFFFFFFB0];
	[tilespmem:v36+s22+$0x0] =	vst.idx.msk $0xffff, v44;
	v47 =	vmul.f32 $8.000000000e+00, v37  }
0x6b: {  	v5 =	vor.u32 v3, v5;
	v49 =	vld [tilespmem:s0+$0x30];
	[tilespmem:v39+s22+$0x0] =	vst.idx.msk $0xffff, v16;
	v6 =	vmul.f32 $8.000000000e+00, v40  }
0x6c: {  	v50 =	vor.u32 v3, v9;
	v16 =	vld [tilespmem:s0+$0xFFFFFF30];
	v54 =	vmul.f32 $8.000000000e+00, v14;
	[tilespmem:v42+s22+$0x0] =	vst.idx.msk $0xffff, v47  }
0x6d: {  	v52 =	vor.u32 v3, v10;
	v51 =	vmul.f32 $8.000000000e+00, v43;
	[tilespmem:v45+s22+$0x0] =	vst.idx.msk $0xffff, v6;
	v53 =	vld [tilespmem:s16+$0xB0]  }
0x6e: {  	v4 =	vor.u32 v3, v4;
	v55 =	vmul.f32 $8.000000000e+00, v22;
	[tilespmem:v48+s22+$0x0] =	vst.idx.msk $0xffff, v54;
	v56 =	vld [tilespmem:s16+$0xFFFFFFB0]  }
0x6f: {  	v58 =	vor.u32 v3, v26;
	v57 =	vmul.f32 $8.000000000e+00, v20;
	[tilespmem:v46+s22+$0x0] =	vst.idx.msk $0xffff, v51;
	v60 =	vld [tilespmem:s16+$0xFFFFFF30]  }
0x70: {  	v61 =	vor.u32 v3, v18;
	[tilespmem:v5+s22+$0x0] =	vst.idx.msk $0xffff, v55;
	v5 =	vmul.f32 $8.000000000e+00, v49;
	v59 =	vld [tilespmem:s16+$0x30]  }
0x71: {  	v63 =	vor.u32 v3, v11;
	[tilespmem:v50+s22+$0x0] =	vst.idx.msk $0xffff, v57;
	v16 =	vmul.f32 $8.000000000e+00, v16  }
0x72: {  	v62 =	vor.u32 v3, v23;
	[tilespmem:v52+s22+$0x0] =	vst.idx.msk $0xffff, v5;
	v5 =	vmul.f32 $8.000000000e+00, v53  }
0x73: {  	p1 =	sne.s32 s31, $0x31;
	[tilespmem:v4+s22+$0x0] =	vst.idx.msk $0xffff, v16;
	v4 =	vmul.f32 $8.000000000e+00, v56  }
.Ltmp3:
0x74: {  	s18 =	sshll.u32 s31, $0x14;
	v6 =	vmul.f32 $8.000000000e+00, v60;
	[tilespmem:v58+s22+$0x0] =	vst.idx.msk $0xffff, v5;
	(pc) =	sbr.rel @p1 .LBB2_6-.Ltmp3, $4  }
0x75: {  	s0 =	sor.u32 s4, s18;
	v5 =	vmul.f32 $8.000000000e+00, v59;
	[tilespmem:v61+s22+$0x0] =	vst.idx.msk $0xffff, v4  }
0x76: {  	s0 =	sshrl.u32 s0, $0x3;
	[tilespmem:v63+s22+$0x0] =	vst.idx.msk $0xffff, v6  }
0x77: {  	s19 =	sadd.s32 s1, s0;
	[tilespmem:v62+s22+$0x0] =	vst.idx.msk $0xffff, v5  }
0x78: {  	[hbm4b:s19+s11] =	stream.strided.scatter [tilespmem:s22], [sflag:$0x5], $0x2000, s12, s11, $0x38;
	[tilespmem:$0x1A400] =	vst v63  }
.Ltmp4:
0x79: {  	(pc) =	sbr.rel .LBB2_7-.Ltmp4, $4  }
0x7a: {  	_ = 	snop  }
0x7b: {  	_ =	swait.ge [sflag:s23], $0x4000  }
0x7c: {  	[sflag:s23] =	ssyncset.done $0x0  }
0x7d: {  	[sflag:s23] =	ssyncadd.s32 $0xFFFFC000  }
.LBB2_6:
0x7e: {  	s2 =	sshll.u32 s31, $0x9  }
0x7f: {  	s2 =	sand.u32 $0x3FFFFE00, s2  }
.Ltmp5:
0x80: {  	s2 =	sadd.s32 $0x200, s2;
	(pc) =	sbr.rel @p0 .LBB2_8-.Ltmp5, $4  }
0x81: {  	[tilespmem:s15], [sflag:$0x1] =	stream.indirect.gather [hbm4b:s5+s14], $0x80, s2, s14, $0xb8;
	[tilespmem:$0x1A400] =	vst v63  }
0x82: {  	_ =	swait.ge [sflag:s23], $0x4000  }
0x83: {  	[sflag:s23] =	ssyncset.done $0x0  }
0x84: {  	[sflag:s23] =	ssyncadd.s32 $0xFFFFC000  }
.LBB2_7:
0x85: {  	_ =	swait.ge [sflag:s24], $0x2000  }
0x86: {  	[sflag:s24] =	ssyncset.done $0x0  }
0x87: {  	[sflag:s24] =	ssyncadd.s32 $0xFFFFE000  }
.LBB2_8:
0x88: {  	s2 =	simm.s32 $0x3  }
0x89: {  	v4 =	vmov s2  }
0x8a: {  	s16 =	simm.s32 $0xA5B0;
	v4 =	vand.u32 $0x7F, v4  }
0x8b: {  	s17 =	simm.s32 $0x1;
	v5 =	vld [tilespmem:s16+$0xFFFFFFD0];
	v11 =	vbroadcast v4, $0x0  }
0x8c: {  	s18 =	simm.s32 $0x2;
	v4 =	vmov s17  }
0x8d: {  	v6 =	vmov s18;
	v4 =	vand.u32 $0x7D, v4;
	v9 =	vor.u32 v0, v11  }
0x8e: {  	s19 =	simm.s32 $0x0;
	v10 =	vld [tilespmem:s16+$0xFFFFFED0];
	v6 =	vand.u32 $0x7E, v6;
	v7 =	vbroadcast v4, $0x0  }
0x8f: {  	v8 =	vbroadcast v6, $0x0;
	v4 =	vmov s19  }
0x90: {  	v12 =	vld [tilespmem:s16+$0xFFFFFF50];
	v4 =	vand.u32 $0x7C, v4;
	v5 =	vmul.f32 $8.000000000e+00, v5;
	v13 =	vor.u32 v0, v7  }
0x91: {  	v6 =	vbroadcast v4, $0x0;
	v4 =	vld [tilespmem:s16+$0xFFFFFE50]  }
0x92: {  	v14 =	vor.u32 v0, v8;
	[tilespmem:v9+s25+$0x0] =	vst.idx.msk $0xffff, v5  }
0x93: {  	v5 =	vor.u32 v0, v6;
	v9 =	vmul.f32 $8.000000000e+00, v10;
	v10 =	vld [tilespmem:s16+$0xFFFFFFE0];
	_ =	sdelay $0x1  }
0x94: {  	v12 =	vmul.f32 $8.000000000e+00, v12;
	[tilespmem:v13+s25+$0x0] =	vst.idx.msk $0xffff, v9;
	v9 =	vor.u32 v1, v11  }
0x95: {  	v4 =	vmul.f32 $8.000000000e+00, v4;
	v13 =	vld [tilespmem:s16+$0xFFFFFEE0]  }
0x96: {  	s18 =	simm.s32 $0x7;
	s17 =	simm.s32 $0x4;
	v18 =	vor.u32 v1, v8;
	[tilespmem:v14+s25+$0x0] =	vst.idx.msk $0xffff, v12  }
0x97: {  	v12 =	vmov s17;
	v14 =	vld [tilespmem:s16+$0xFFFFFF60];
	[tilespmem:v5+s25+$0x0] =	vst.idx.msk $0xffff, v4;
	v5 =	vmul.f32 $8.000000000e+00, v10;
	v10 =	vmov s18  }
0x98: {  	s2 =	simm.s32 $0xA7B0;
	s19 =	simm.s32 $0x6;
	v16 =	vor.u32 v1, v7;
	v4 =	vand.u32 $0x7C, v12;
	v12 =	vld [tilespmem:s16+$0xFFFFFE60];
	v10 =	vand.u32 $0x7F, v10  }
0x99: {  	v19 =	vld [tilespmem:s2+$0xFFFFFFD0];
	v23 =	vor.u32 v2, v11;
	v17 =	vmov s19;
	s17 =	simm.s32 $0x5;
	[tilespmem:v9+s25+$0x0] =	vst.idx.msk $0xffff, v5;
	v5 =	vbroadcast v10, $0x0  }
0x9a: {  	v20 =	vor.u32 v1, v6;
	v15 =	vmov s17;
	v10 =	vmul.f32 $8.000000000e+00, v13;
	v13 =	vld [tilespmem:s16+$0xFFFFFFF0]  }
0x9b: {  	v4 =	vbroadcast v4, $0x0;
	v9 =	vand.u32 $0x7D, v15;
	v15 =	vld [tilespmem:s2+$0xFFFFFE50];
	v21 =	vor.u32 v0, v5  }
0x9c: {  	v22 =	vld [tilespmem:s2+$0xFFFFFED0];
	v17 =	vand.u32 $0x7E, v17;
	v14 =	vmul.f32 $8.000000000e+00, v14;
	v9 =	vbroadcast v9, $0x0  }
0x9d: {  	v24 =	vld [tilespmem:s2+$0xFFFFFF50];
	[tilespmem:v16+s25+$0x0] =	vst.idx.msk $0xffff, v10;
	v16 =	vor.u32 v0, v4;
	v10 =	vbroadcast v17, $0x0;
	v12 =	vmul.f32 $8.000000000e+00, v12  }
0x9e: {  	[tilespmem:v18+s25+$0x0] =	vst.idx.msk $0xffff, v14;
	v17 =	vmul.f32 $8.000000000e+00, v19;
	v14 =	vor.u32 v0, v9;
	v18 =	vld [tilespmem:s16+$0xFFFFFEF0]  }
0x9f: {  	[tilespmem:v20+s25+$0x0] =	vst.idx.msk $0xffff, v12;
	v12 =	vor.u32 v0, v10;
	v20 =	vld [tilespmem:s16+$0xFFFFFF70];
	v13 =	vmul.f32 $8.000000000e+00, v13  }
0xa0: {  	v26 =	vor.u32 v2, v7;
	v15 =	vmul.f32 $8.000000000e+00, v15;
	v25 =	vld [tilespmem:s16+$0xFFFFFE70];
	[tilespmem:v21+s25+$0x0] =	vst.idx.msk $0xffff, v17  }
0xa1: {  	v28 =	vor.u32 v2, v8;
	v19 =	vmul.f32 $8.000000000e+00, v22;
	v27 =	vld [tilespmem:s2+$0xFFFFFFE0];
	[tilespmem:v23+s25+$0x0] =	vst.idx.msk $0xffff, v13  }
0xa2: {  	v29 =	vor.u32 v2, v6;
	v22 =	vor.u32 v1, v9;
	[tilespmem:v16+s25+$0x0] =	vst.idx.msk $0xffff, v15;
	v15 =	vmul.f32 $8.000000000e+00, v24;
	v30 =	vld [tilespmem:s16+$0x0]  }
0xa3: {  	s19 =	simm.s32 $0x9;
	s18 =	simm.s32 $0x8;
	v21 =	vor.u32 v3, v11;
	v17 =	vld [tilespmem:s2+$0xFFFFFE60];
	[tilespmem:v14+s25+$0x0] =	vst.idx.msk $0xffff, v19;
	v19 =	vor.u32 v1, v5;
	v14 =	vmul.f32 $8.000000000e+00, v18  }
0xa4: {  	v13 =	vmov s18;
	v18 =	vmov s19;
	v16 =	vld [tilespmem:s2+$0xFFFFFEE0];
	[tilespmem:v12+s25+$0x0] =	vst.idx.msk $0xffff, v15;
	v15 =	vmul.f32 $8.000000000e+00, v20  }
0xa5: {  	s18 =	simm.s32 $0xA;
	v13 =	vand.u32 $0x7C, v13;
	v20 =	vor.u32 v1, v4;
	[tilespmem:v26+s25+$0x0] =	vst.idx.msk $0xffff, v14;
	v12 =	vld [tilespmem:s2+$0xFFFFFF60];
	v25 =	vmul.f32 $8.000000000e+00, v25  }
0xa6: {  	s19 =	simm.s32 $0xB;
	v23 =	vmov s18;
	v11 =	vbroadcast v13, $0x0;
	v13 =	vld [tilespmem:s16+$0xFFFFFF00];
	[tilespmem:v28+s25+$0x0] =	vst.idx.msk $0xffff, v15;
	v24 =	vmul.f32 $8.000000000e+00, v27  }
0xa7: {  	s17 =	simm.s32 $0xC;
	v26 =	vmov s19;
	v14 =	vor.u32 v1, v10;
	[tilespmem:v29+s25+$0x0] =	vst.idx.msk $0xffff, v25;
	v15 =	vld [tilespmem:s16+$0xFFFFFF80];
	v25 =	vmul.f32 $8.000000000e+00, v30  }
.LBB2_9:
0xa8: {  	p0 =	slt.u32 s17, $0x7C;
	v26 =	vand.u32 $0x7F, v26;
	v17 =	vmul.f32 $8.000000000e+00, v17;
	[tilespmem:v19+s25+$0x0] =	vst.idx.msk $0xffff, v24;
	v19 =	vld [tilespmem:s16+$0xFFFFFE80];
	v24 =	vor.u32 v3, v7;
	v7 =	vmovc v9;
	s16 =	smov.u32 s2;
	s2 =	sadd.s32 $0x200, s2  }
0xa9: {  	v27 =	vld [tilespmem:s2+$0xFFFFFFD0];
	v26 =	vbroadcast v26, $0x0;
	v9 =	vmul.f32 $8.000000000e+00, v16;
	v16 =	vor.u32 v3, v8;
	[tilespmem:v21+s25+$0x0] =	vst.idx.msk $0xffff, v25;
	v8 =	vmovc v10  }
0xaa: {  	v10 =	vand.u32 $0x7D, v18;
	v18 =	vor.u32 v3, v6;
	v6 =	vmovc v4;
	[tilespmem:v20+s25+$0x0] =	vst.idx.msk $0xffff, v17;
	v12 =	vmul.f32 $8.000000000e+00, v12;
	v17 =	vld [tilespmem:s16+$0xFFFFFFF0]  }
0xab: {  	v21 =	vand.u32 $0x7E, v23;
	v4 =	vmovc v11;
	v20 =	vld [tilespmem:s2+$0xFFFFFE50];
	v23 =	vor.u32 v0, v26;
	[tilespmem:v22+s25+$0x0] =	vst.idx.msk $0xffff, v9;
	v13 =	vmul.f32 $8.000000000e+00, v13  }
0xac: {  	v9 =	vbroadcast v10, $0x0;
	v11 =	vld [tilespmem:s2+$0xFFFFFED0];
	[tilespmem:v14+s25+$0x0] =	vst.idx.msk $0xffff, v12;
	v12 =	vor.u32 v2, v5;
	v14 =	vmul.f32 $8.000000000e+00, v15  }
0xad: {  	v10 =	vbroadcast v21, $0x0;
	v15 =	vor.u32 v0, v4;
	v22 =	vld [tilespmem:s2+$0xFFFFFF50];
	v19 =	vmul.f32 $8.000000000e+00, v19;
	[tilespmem:v24+s25+$0x0] =	vst.idx.msk $0xffff, v13  }
0xae: {  	v13 =	vor.u32 v0, v9;
	v21 =	vmul.f32 $8.000000000e+00, v27;
	v24 =	vld [tilespmem:s16+$0xFFFFFEF0];
	[tilespmem:v16+s25+$0x0] =	vst.idx.msk $0xffff, v14  }
0xaf: {  	v14 =	vor.u32 v0, v10;
	v25 =	vld [tilespmem:s16+$0xFFFFFF70];
	v16 =	vmul.f32 $8.000000000e+00, v17;
	[tilespmem:v18+s25+$0x0] =	vst.idx.msk $0xffff, v19  }
0xb0: {  	v28 =	vor.u32 v2, v7;
	v17 =	vmul.f32 $8.000000000e+00, v20;
	[tilespmem:v23+s25+$0x0] =	vst.idx.msk $0xffff, v21;
	v27 =	vld [tilespmem:s16+$0xFFFFFE70]  }
0xb1: {  	v30 =	vor.u32 v2, v8;
	v11 =	vmul.f32 $8.000000000e+00, v11;
	v29 =	vld [tilespmem:s2+$0xFFFFFFE0];
	[tilespmem:v12+s25+$0x0] =	vst.idx.msk $0xffff, v16  }
0xb2: {  	v31 =	vor.u32 v2, v6;
	v12 =	vmov s17;
	[tilespmem:v15+s25+$0x0] =	vst.idx.msk $0xffff, v17;
	v15 =	vmul.f32 $8.000000000e+00, v22;
	v32 =	vld [tilespmem:s16+$0x0]  }
.Ltmp6:
0xb3: {  	s18 =	sadd.s32 $0x1, s17;
	v19 =	vor.u32 v1, v26;
	v22 =	vand.u32 $0x7C, v12;
	v17 =	vld [tilespmem:s2+$0xFFFFFE60];
	[tilespmem:v13+s25+$0x0] =	vst.idx.msk $0xffff, v11;
	v11 =	vmul.f32 $8.000000000e+00, v24;
	(pc) =	sbr.rel @p0 .LBB2_9-.Ltmp6, $4  }
0xb4: {  	v18 =	vmov s18;
	s18 =	sadd.s32 $0x2, s17;
	v21 =	vor.u32 v3, v5;
	v5 =	vmovc v26;
	v16 =	vld [tilespmem:s2+$0xFFFFFEE0];
	[tilespmem:v14+s25+$0x0] =	vst.idx.msk $0xffff, v15;
	v14 =	vmul.f32 $8.000000000e+00, v25  }
0xb5: {  	v23 =	vmov s18;
	v20 =	vor.u32 v1, v4;
	v12 =	vld [tilespmem:s2+$0xFFFFFF60];
	v15 =	vmul.f32 $8.000000000e+00, v27;
	[tilespmem:v28+s25+$0x0] =	vst.idx.msk $0xffff, v11  }
0xb6: {  	s18 =	sadd.s32 $0x3, s17;
	v11 =	vbroadcast v22, $0x0;
	v22 =	vor.u32 v1, v9;
	v24 =	vmul.f32 $8.000000000e+00, v29;
	v13 =	vld [tilespmem:s16+$0xFFFFFF00];
	[tilespmem:v30+s25+$0x0] =	vst.idx.msk $0xffff, v14  }
0xb7: {  	v26 =	vmov s18;
	s17 =	sadd.s32 $0x4, s17;
	v14 =	vor.u32 v1, v10;
	[tilespmem:v31+s25+$0x0] =	vst.idx.msk $0xffff, v15;
	v15 =	vld [tilespmem:s16+$0xFFFFFF80];
	v25 =	vmul.f32 $8.000000000e+00, v32  }
0xb8: {  	v26 =	vand.u32 $0x7F, v26;
	s17 =	sadd.s32 $0x200, s2  }
0xb9: {  	v18 =	vand.u32 $0x7D, v18;
	v27 =	vld [tilespmem:s17+$0xFFFFFFD0];
	v26 =	vbroadcast v26, $0x0  }
0xba: {  	v23 =	vand.u32 $0x7E, v23;
	v28 =	vld [tilespmem:s17+$0xFFFFFED0];
	v18 =	vbroadcast v18, $0x0  }
0xbb: {  	v30 =	vld [tilespmem:s17+$0xFFFFFF50];
	v23 =	vbroadcast v23, $0x0;
	v29 =	vor.u32 v0, v26  }
0xbc: {  	v17 =	vmul.f32 $8.000000000e+00, v17;
	[tilespmem:v19+s25+$0x0] =	vst.idx.msk $0xffff, v24;
	v19 =	vld [tilespmem:s17+$0xFFFFFE50];
	v24 =	vor.u32 v0, v18  }
0xbd: {  	[tilespmem:v21+s25+$0x0] =	vst.idx.msk $0xffff, v25;
	v16 =	vmul.f32 $8.000000000e+00, v16;
	v21 =	vor.u32 v0, v23  }
0xbe: {  	[tilespmem:v20+s25+$0x0] =	vst.idx.msk $0xffff, v17;
	v17 =	vor.u32 v0, v11;
	v20 =	vmul.f32 $8.000000000e+00, v27  }
0xbf: {  	[tilespmem:v22+s25+$0x0] =	vst.idx.msk $0xffff, v16;
	v16 =	vmul.f32 $8.000000000e+00, v28  }
0xc0: {  	v7 =	vor.u32 v3, v7;
	v22 =	vld [tilespmem:s16+$0xFFFFFE80];
	[tilespmem:v29+s25+$0x0] =	vst.idx.msk $0xffff, v20;
	v20 =	vmul.f32 $8.000000000e+00, v30  }
0xc1: {  	v8 =	vor.u32 v3, v8;
	v19 =	vmul.f32 $8.000000000e+00, v19;
	[tilespmem:v24+s25+$0x0] =	vst.idx.msk $0xffff, v16;
	v25 =	vld [tilespmem:s17+$0xFFFFFFE0]  }
0xc2: {  	v6 =	vor.u32 v3, v6;
	v12 =	vmul.f32 $8.000000000e+00, v12;
	v16 =	vld [tilespmem:s17+$0xFFFFFEE0];
	[tilespmem:v21+s25+$0x0] =	vst.idx.msk $0xffff, v20  }
0xc3: {  	v13 =	vmul.f32 $8.000000000e+00, v13;
	[tilespmem:v17+s25+$0x0] =	vst.idx.msk $0xffff, v19;
	v17 =	vor.u32 v1, v26;
	v19 =	vld [tilespmem:s17+$0xFFFFFF60]  }
0xc4: {  	[tilespmem:v14+s25+$0x0] =	vst.idx.msk $0xffff, v12;
	v12 =	vmul.f32 $8.000000000e+00, v15;
	v15 =	vor.u32 v1, v18;
	v14 =	vld [tilespmem:s17+$0xFFFFFE60]  }
0xc5: {  	[tilespmem:v7+s25+$0x0] =	vst.idx.msk $0xffff, v13;
	v7 =	vor.u32 v1, v23;
	v20 =	vld [tilespmem:s2+$0xFFFFFFF0];
	v21 =	vmul.f32 $8.000000000e+00, v22  }
0xc6: {  	v13 =	vld [tilespmem:s2+$0xFFFFFEF0];
	[tilespmem:v8+s25+$0x0] =	vst.idx.msk $0xffff, v12;
	v8 =	vor.u32 v1, v11;
	v12 =	vmul.f32 $8.000000000e+00, v25  }
0xc7: {  	v24 =	vld [tilespmem:s2+$0xFFFFFF70];
	v22 =	vor.u32 v2, v5;
	[tilespmem:v6+s25+$0x0] =	vst.idx.msk $0xffff, v21;
	v6 =	vmul.f32 $8.000000000e+00, v16  }
0xc8: {  	v21 =	vor.u32 v2, v9;
	v16 =	vld [tilespmem:s2+$0xFFFFFE70];
	[tilespmem:v17+s25+$0x0] =	vst.idx.msk $0xffff, v12;
	v12 =	vmul.f32 $8.000000000e+00, v19  }
0xc9: {  	v14 =	vmul.f32 $8.000000000e+00, v14;
	v17 =	vor.u32 v2, v10;
	[tilespmem:v15+s25+$0x0] =	vst.idx.msk $0xffff, v6;
	v19 =	vld [tilespmem:s17+$0xFFFFFFF0]  }
0xca: {  	v6 =	vmul.f32 $8.000000000e+00, v20;
	v15 =	vor.u32 v2, v4;
	[tilespmem:v7+s25+$0x0] =	vst.idx.msk $0xffff, v12;
	v7 =	vld [tilespmem:s17+$0xFFFFFEF0]  }
0xcb: {  	[tilespmem:v8+s25+$0x0] =	vst.idx.msk $0xffff, v14;
	v8 =	vor.u32 v2, v26;
	v12 =	vmul.f32 $8.000000000e+00, v13;
	v13 =	vld [tilespmem:s17+$0xFFFFFF70]  }
0xcc: {  	v20 =	vor.u32 v2, v18;
	v14 =	vld [tilespmem:s17+$0xFFFFFE70];
	[tilespmem:v22+s25+$0x0] =	vst.idx.msk $0xffff, v6;
	v6 =	vmul.f32 $8.000000000e+00, v24  }
0xcd: {  	v22 =	vld [tilespmem:s2+$0x0];
	v16 =	vmul.f32 $8.000000000e+00, v16;
	[tilespmem:v21+s25+$0x0] =	vst.idx.msk $0xffff, v12;
	v12 =	vor.u32 v2, v23  }
0xce: {  	v21 =	vld [tilespmem:s2+$0xFFFFFF00];
	[tilespmem:v17+s25+$0x0] =	vst.idx.msk $0xffff, v6;
	v17 =	vor.u32 v2, v11;
	v6 =	vmul.f32 $8.000000000e+00, v19  }
0xcf: {  	v5 =	vor.u32 v3, v5;
	[tilespmem:v15+s25+$0x0] =	vst.idx.msk $0xffff, v16;
	v15 =	vld [tilespmem:s2+$0xFFFFFF80];
	v7 =	vmul.f32 $8.000000000e+00, v7  }
0xd0: {  	v9 =	vor.u32 v3, v9;
	v16 =	vld [tilespmem:s2+$0xFFFFFE80];
	[tilespmem:v8+s25+$0x0] =	vst.idx.msk $0xffff, v6;
	v6 =	vmul.f32 $8.000000000e+00, v13  }
0xd1: {  	v8 =	vor.u32 v3, v10;
	v13 =	vmul.f32 $8.000000000e+00, v14;
	v10 =	vld [tilespmem:s17+$0x0];
	[tilespmem:v20+s25+$0x0] =	vst.idx.msk $0xffff, v7  }
0xd2: {  	v4 =	vor.u32 v3, v4;
	v7 =	vmul.f32 $8.000000000e+00, v22;
	v14 =	vld [tilespmem:s17+$0xFFFFFF00];
	[tilespmem:v12+s25+$0x0] =	vst.idx.msk $0xffff, v6  }
0xd3: {  	v6 =	vmul.f32 $8.000000000e+00, v21;
	v12 =	vor.u32 v3, v26;
	[tilespmem:v17+s25+$0x0] =	vst.idx.msk $0xffff, v13;
	v13 =	vld [tilespmem:s17+$0xFFFFFF80]  }
0xd4: {  	[tilespmem:v5+s25+$0x0] =	vst.idx.msk $0xffff, v7;
	v5 =	vmul.f32 $8.000000000e+00, v15;
	v7 =	vld [tilespmem:s17+$0xFFFFFE80];
	v15 =	vor.u32 v3, v18  }
0xd5: {  	v16 =	vmul.f32 $8.000000000e+00, v16;
	[tilespmem:v9+s25+$0x0] =	vst.idx.msk $0xffff, v6;
	v6 =	vor.u32 v3, v23  }
0xd6: {  	[tilespmem:v8+s25+$0x0] =	vst.idx.msk $0xffff, v5;
	v8 =	vor.u32 v3, v11;
	v5 =	vmul.f32 $8.000000000e+00, v10  }
0xd7: {  	[tilespmem:v4+s25+$0x0] =	vst.idx.msk $0xffff, v16;
	v4 =	vmul.f32 $8.000000000e+00, v14  }
0xd8: {  	[tilespmem:v12+s25+$0x0] =	vst.idx.msk $0xffff, v5;
	v5 =	vmul.f32 $8.000000000e+00, v13  }
0xd9: {  	p0 =	seq.s32 s31, $0x31;
	v7 =	vmul.f32 $8.000000000e+00, v7;
	[tilespmem:v15+s25+$0x0] =	vst.idx.msk $0xffff, v4  }
0xda: {  	s2 =	sshll.u32 @!p0 s31, $0x9;
	[tilespmem:v6+s25+$0x0] =	vst.idx.msk $0xffff, v5  }
0xdb: {  	s16 =	sadd.s32 s0, s7;
	s2 =	sand.u32 @!p0 $0x3FFFFE00, s2;
	[tilespmem:v8+s25+$0x0] =	vst.idx.msk $0xffff, v7  }
0xdc: {  	[hbm4b:s16+s11] =	stream.strided.scatter [tilespmem:s25], [sflag:$0x6], $0x2000, s12, s11, $0x38;
	[tilespmem:$0x1A400] =	vst v63  }
0xdd: {  	s18 =	simm.s32 @!p0 $0xA400;
	s17 =	simm.s32 @!p0 $0x80;
	s16 =	sadd.s32 @!p0 $0x280, s2  }
0xde: {  	[tilespmem:s18], [sflag:$0x2] =	stream.indirect.gather @!p0 [hbm4b:s5+s17], $0x80, s16, s17, $0xb8;
	[tilespmem:$0x1A400] =	vst v63  }
0xdf: {  	_ =	swait.ge [sflag:s26], $0x4000  }
0xe0: {  	[sflag:s26] =	ssyncset.done $0x0  }
0xe1: {  	[sflag:s26] =	ssyncadd.s32 $0xFFFFC000  }
0xe2: {  	s17 =	simm.s32 $0x3;
	_ =	swait.ge [sflag:s28], $0x2000  }
0xe3: {  	v4 =	vmov s17;
	[sflag:s28] =	ssyncset.done $0x0  }
0xe4: {  	s17 =	simm.s32 $0xE5B0;
	v4 =	vand.u32 $0x7F, v4;
	[sflag:s28] =	ssyncadd.s32 $0xFFFFE000  }
0xe5: {  	s18 =	simm.s32 $0x1;
	v11 =	vbroadcast v4, $0x0;
	v5 =	vld [tilespmem:s17+$0xFFFFFFD0]  }
0xe6: {  	s19 =	simm.s32 $0x2;
	v4 =	vmov s18  }
0xe7: {  	v6 =	vmov s19;
	v4 =	vand.u32 $0x7D, v4;
	v9 =	vor.u32 v0, v11  }
0xe8: {  	v6 =	vand.u32 $0x7E, v6;
	s18 =	simm.s32 $0x0;
	v7 =	vbroadcast v4, $0x0;
	v10 =	vld [tilespmem:s17+$0xFFFFFED0]  }
0xe9: {  	v8 =	vbroadcast v6, $0x0;
	v4 =	vmov s18  }
0xea: {  	v4 =	vand.u32 $0x7C, v4;
	v12 =	vld [tilespmem:s17+$0xFFFFFF50];
	v13 =	vor.u32 v0, v7;
	v5 =	vmul.f32 $8.000000000e+00, v5  }
0xeb: {  	v6 =	vbroadcast v4, $0x0;
	v4 =	vld [tilespmem:s17+$0xFFFFFE50]  }
0xec: {  	v14 =	vor.u32 v0, v8;
	[tilespmem:v9+s22+$0x0] =	vst.idx.msk $0xffff, v5  }
0xed: {  	v5 =	vor.u32 v0, v6;
	v9 =	vmul.f32 $8.000000000e+00, v10;
	v10 =	vld [tilespmem:s17+$0xFFFFFFE0];
	_ =	sdelay $0x1  }
0xee: {  	v12 =	vmul.f32 $8.000000000e+00, v12;
	[tilespmem:v13+s22+$0x0] =	vst.idx.msk $0xffff, v9;
	v9 =	vor.u32 v1, v11  }
0xef: {  	v4 =	vmul.f32 $8.000000000e+00, v4;
	v13 =	vld [tilespmem:s17+$0xFFFFFEE0]  }
0xf0: {  	s19 =	simm.s32 $0x4;
	v18 =	vor.u32 v1, v8;
	s18 =	simm.s32 $0x7;
	[tilespmem:v14+s22+$0x0] =	vst.idx.msk $0xffff, v12  }
0xf1: {  	v12 =	vmov s19;
	v14 =	vld [tilespmem:s17+$0xFFFFFF60];
	[tilespmem:v5+s22+$0x0] =	vst.idx.msk $0xffff, v4;
	v5 =	vmul.f32 $8.000000000e+00, v10;
	v10 =	vmov s18  }
0xf2: {  	s16 =	simm.s32 $0xE7B0;
	v16 =	vor.u32 v1, v7;
	s19 =	simm.s32 $0x5;
	v4 =	vand.u32 $0x7C, v12;
	v12 =	vld [tilespmem:s17+$0xFFFFFE60];
	v10 =	vand.u32 $0x7F, v10  }
0xf3: {  	v23 =	vor.u32 v2, v11;
	v19 =	vld [tilespmem:s16+$0xFFFFFFD0];
	v15 =	vmov s19;
	s19 =	simm.s32 $0x6;
	[tilespmem:v9+s22+$0x0] =	vst.idx.msk $0xffff, v5;
	v5 =	vbroadcast v10, $0x0  }
0xf4: {  	v20 =	vor.u32 v1, v6;
	v17 =	vmov s19;
	v10 =	vmul.f32 $8.000000000e+00, v13;
	v13 =	vld [tilespmem:s17+$0xFFFFFFF0]  }
0xf5: {  	v4 =	vbroadcast v4, $0x0;
	v9 =	vand.u32 $0x7D, v15;
	v15 =	vld [tilespmem:s16+$0xFFFFFE50];
	v21 =	vor.u32 v0, v5  }
0xf6: {  	v22 =	vld [tilespmem:s16+$0xFFFFFED0];
	v17 =	vand.u32 $0x7E, v17;
	v14 =	vmul.f32 $8.000000000e+00, v14;
	v9 =	vbroadcast v9, $0x0  }
0xf7: {  	v24 =	vld [tilespmem:s16+$0xFFFFFF50];
	[tilespmem:v16+s22+$0x0] =	vst.idx.msk $0xffff, v10;
	v16 =	vor.u32 v0, v4;
	v10 =	vbroadcast v17, $0x0;
	v12 =	vmul.f32 $8.000000000e+00, v12  }
0xf8: {  	[tilespmem:v18+s22+$0x0] =	vst.idx.msk $0xffff, v14;
	v17 =	vmul.f32 $8.000000000e+00, v19;
	v14 =	vor.u32 v0, v9;
	v18 =	vld [tilespmem:s17+$0xFFFFFEF0]  }
0xf9: {  	[tilespmem:v20+s22+$0x0] =	vst.idx.msk $0xffff, v12;
	v12 =	vor.u32 v0, v10;
	v20 =	vld [tilespmem:s17+$0xFFFFFF70];
	v13 =	vmul.f32 $8.000000000e+00, v13  }
0xfa: {  	v26 =	vor.u32 v2, v7;
	v15 =	vmul.f32 $8.000000000e+00, v15;
	v25 =	vld [tilespmem:s17+$0xFFFFFE70];
	[tilespmem:v21+s22+$0x0] =	vst.idx.msk $0xffff, v17  }
0xfb: {  	v61 =	vor.u32 v2, v8;
	v19 =	vmul.f32 $8.000000000e+00, v22;
	v27 =	vld [tilespmem:s16+$0xFFFFFFE0];
	[tilespmem:v23+s22+$0x0] =	vst.idx.msk $0xffff, v13  }
0xfc: {  	v62 =	vor.u32 v2, v6;
	s19 =	simm.s32 $0x8;
	v22 =	vor.u32 v1, v9;
	[tilespmem:v16+s22+$0x0] =	vst.idx.msk $0xffff, v15;
	v15 =	vmul.f32 $8.000000000e+00, v24;
	v63 =	vld [tilespmem:s17+$0x0]  }
0xfd: {  	v13 =	vmov s19;
	v17 =	vld [tilespmem:s16+$0xFFFFFE60];
	[tilespmem:v14+s22+$0x0] =	vst.idx.msk $0xffff, v19;
	v19 =	vor.u32 v1, v5;
	v14 =	vmul.f32 $8.000000000e+00, v18  }
0xfe: {  	v21 =	vor.u32 v3, v11;
	s19 =	simm.s32 $0x9;
	v13 =	vand.u32 $0x7C, v13;
	v16 =	vld [tilespmem:s16+$0xFFFFFEE0];
	[tilespmem:v12+s22+$0x0] =	vst.idx.msk $0xffff, v15;
	v15 =	vmul.f32 $8.000000000e+00, v20  }
0xff: {  	v18 =	vmov s19;
	s19 =	simm.s32 $0xA;
	v20 =	vor.u32 v1, v4;
	[tilespmem:v26+s22+$0x0] =	vst.idx.msk $0xffff, v14;
	v12 =	vld [tilespmem:s16+$0xFFFFFF60];
	v25 =	vmul.f32 $8.000000000e+00, v25  }
0x100: {  	v23 =	vmov s19;
	v11 =	vbroadcast v13, $0x0;
	s19 =	simm.s32 $0xB;
	v13 =	vld [tilespmem:s17+$0xFFFFFF00];
	[tilespmem:v61+s22+$0x0] =	vst.idx.msk $0xffff, v15;
	v24 =	vmul.f32 $8.000000000e+00, v27  }
0x101: {  	s18 =	simm.s32 $0xC;
	v14 =	vor.u32 v1, v10;
	v26 =	vmov s19;
	[tilespmem:v62+s22+$0x0] =	vst.idx.msk $0xffff, v25;
	v15 =	vld [tilespmem:s17+$0xFFFFFF80];
	v25 =	vmul.f32 $8.000000000e+00, v63  }
.LBB2_11:
0x102: {  	p1 =	slt.u32 s18, $0x7C;
	v26 =	vand.u32 $0x7F, v26;
	v17 =	vmul.f32 $8.000000000e+00, v17;
	[tilespmem:v19+s22+$0x0] =	vst.idx.msk $0xffff, v24;
	v19 =	vld [tilespmem:s17+$0xFFFFFE80];
	v24 =	vor.u32 v3, v7;
	v7 =	vmovc v9;
	s17 =	smov.u32 s16;
	s16 =	sadd.s32 $0x200, s16  }
0x103: {  	v27 =	vld [tilespmem:s16+$0xFFFFFFD0];
	v26 =	vbroadcast v26, $0x0;
	v9 =	vmul.f32 $8.000000000e+00, v16;
	v16 =	vor.u32 v3, v8;
	[tilespmem:v21+s22+$0x0] =	vst.idx.msk $0xffff, v25;
	v8 =	vmovc v10  }
0x104: {  	v10 =	vand.u32 $0x7D, v18;
	v18 =	vor.u32 v3, v6;
	v6 =	vmovc v4;
	[tilespmem:v20+s22+$0x0] =	vst.idx.msk $0xffff, v17;
	v12 =	vmul.f32 $8.000000000e+00, v12;
	v17 =	vld [tilespmem:s17+$0xFFFFFFF0]  }
0x105: {  	v21 =	vand.u32 $0x7E, v23;
	v4 =	vmovc v11;
	v20 =	vld [tilespmem:s16+$0xFFFFFE50];
	v23 =	vor.u32 v0, v26;
	[tilespmem:v22+s22+$0x0] =	vst.idx.msk $0xffff, v9;
	v13 =	vmul.f32 $8.000000000e+00, v13  }
0x106: {  	v9 =	vbroadcast v10, $0x0;
	v11 =	vld [tilespmem:s16+$0xFFFFFED0];
	[tilespmem:v14+s22+$0x0] =	vst.idx.msk $0xffff, v12;
	v12 =	vor.u32 v2, v5;
	v14 =	vmul.f32 $8.000000000e+00, v15  }
0x107: {  	v10 =	vbroadcast v21, $0x0;
	v15 =	vor.u32 v0, v4;
	v22 =	vld [tilespmem:s16+$0xFFFFFF50];
	v19 =	vmul.f32 $8.000000000e+00, v19;
	[tilespmem:v24+s22+$0x0] =	vst.idx.msk $0xffff, v13  }
0x108: {  	v13 =	vor.u32 v0, v9;
	v21 =	vmul.f32 $8.000000000e+00, v27;
	v24 =	vld [tilespmem:s17+$0xFFFFFEF0];
	[tilespmem:v16+s22+$0x0] =	vst.idx.msk $0xffff, v14  }
0x109: {  	v14 =	vor.u32 v0, v10;
	v25 =	vld [tilespmem:s17+$0xFFFFFF70];
	v16 =	vmul.f32 $8.000000000e+00, v17;
	[tilespmem:v18+s22+$0x0] =	vst.idx.msk $0xffff, v19  }
0x10a: {  	v28 =	vor.u32 v2, v7;
	v17 =	vmul.f32 $8.000000000e+00, v20;
	[tilespmem:v23+s22+$0x0] =	vst.idx.msk $0xffff, v21;
	v27 =	vld [tilespmem:s17+$0xFFFFFE70]  }
0x10b: {  	v30 =	vor.u32 v2, v8;
	v11 =	vmul.f32 $8.000000000e+00, v11;
	v29 =	vld [tilespmem:s16+$0xFFFFFFE0];
	[tilespmem:v12+s22+$0x0] =	vst.idx.msk $0xffff, v16  }
0x10c: {  	v31 =	vor.u32 v2, v6;
	v12 =	vmov s18;
	[tilespmem:v15+s22+$0x0] =	vst.idx.msk $0xffff, v17;
	v15 =	vmul.f32 $8.000000000e+00, v22;
	v32 =	vld [tilespmem:s17+$0x0]  }
.Ltmp7:
0x10d: {  	s19 =	sadd.s32 $0x1, s18;
	v19 =	vor.u32 v1, v26;
	v22 =	vand.u32 $0x7C, v12;
	v17 =	vld [tilespmem:s16+$0xFFFFFE60];
	[tilespmem:v13+s22+$0x0] =	vst.idx.msk $0xffff, v11;
	v11 =	vmul.f32 $8.000000000e+00, v24;
	(pc) =	sbr.rel @p1 .LBB2_11-.Ltmp7, $4  }
0x10e: {  	v18 =	vmov s19;
	s19 =	sadd.s32 $0x2, s18;
	v21 =	vor.u32 v3, v5;
	v5 =	vmovc v26;
	v16 =	vld [tilespmem:s16+$0xFFFFFEE0];
	[tilespmem:v14+s22+$0x0] =	vst.idx.msk $0xffff, v15;
	v14 =	vmul.f32 $8.000000000e+00, v25  }
0x10f: {  	v23 =	vmov s19;
	v20 =	vor.u32 v1, v4;
	v12 =	vld [tilespmem:s16+$0xFFFFFF60];
	v15 =	vmul.f32 $8.000000000e+00, v27;
	[tilespmem:v28+s22+$0x0] =	vst.idx.msk $0xffff, v11  }
0x110: {  	s19 =	sadd.s32 $0x3, s18;
	v11 =	vbroadcast v22, $0x0;
	v22 =	vor.u32 v1, v9;
	v24 =	vmul.f32 $8.000000000e+00, v29;
	v13 =	vld [tilespmem:s17+$0xFFFFFF00];
	[tilespmem:v30+s22+$0x0] =	vst.idx.msk $0xffff, v14  }
0x111: {  	v26 =	vmov s19;
	s18 =	sadd.s32 $0x4, s18;
	v14 =	vor.u32 v1, v10;
	[tilespmem:v31+s22+$0x0] =	vst.idx.msk $0xffff, v15;
	v15 =	vld [tilespmem:s17+$0xFFFFFF80];
	v25 =	vmul.f32 $8.000000000e+00, v32  }
0x112: {  	v26 =	vand.u32 $0x7F, v26;
	s18 =	sadd.s32 $0x200, s16  }
0x113: {  	v18 =	vand.u32 $0x7D, v18;
	v27 =	vld [tilespmem:s18+$0xFFFFFFD0];
	v26 =	vbroadcast v26, $0x0  }
0x114: {  	v23 =	vand.u32 $0x7E, v23;
	v28 =	vld [tilespmem:s18+$0xFFFFFED0];
	v18 =	vbroadcast v18, $0x0  }
0x115: {  	v30 =	vld [tilespmem:s18+$0xFFFFFF50];
	v23 =	vbroadcast v23, $0x0;
	v29 =	vor.u32 v0, v26  }
0x116: {  	v17 =	vmul.f32 $8.000000000e+00, v17;
	[tilespmem:v19+s22+$0x0] =	vst.idx.msk $0xffff, v24;
	v19 =	vld [tilespmem:s18+$0xFFFFFE50];
	v24 =	vor.u32 v0, v18  }
0x117: {  	[tilespmem:v21+s22+$0x0] =	vst.idx.msk $0xffff, v25;
	v16 =	vmul.f32 $8.000000000e+00, v16;
	v21 =	vor.u32 v0, v23  }
0x118: {  	[tilespmem:v20+s22+$0x0] =	vst.idx.msk $0xffff, v17;
	v17 =	vor.u32 v0, v11;
	v20 =	vmul.f32 $8.000000000e+00, v27  }
0x119: {  	[tilespmem:v22+s22+$0x0] =	vst.idx.msk $0xffff, v16;
	v16 =	vmul.f32 $8.000000000e+00, v28  }
0x11a: {  	v7 =	vor.u32 v3, v7;
	v22 =	vld [tilespmem:s17+$0xFFFFFE80];
	[tilespmem:v29+s22+$0x0] =	vst.idx.msk $0xffff, v20;
	v20 =	vmul.f32 $8.000000000e+00, v30  }
0x11b: {  	v8 =	vor.u32 v3, v8;
	v19 =	vmul.f32 $8.000000000e+00, v19;
	[tilespmem:v24+s22+$0x0] =	vst.idx.msk $0xffff, v16;
	v25 =	vld [tilespmem:s18+$0xFFFFFFE0]  }
0x11c: {  	v6 =	vor.u32 v3, v6;
	v12 =	vmul.f32 $8.000000000e+00, v12;
	v16 =	vld [tilespmem:s18+$0xFFFFFEE0];
	[tilespmem:v21+s22+$0x0] =	vst.idx.msk $0xffff, v20  }
0x11d: {  	v13 =	vmul.f32 $8.000000000e+00, v13;
	[tilespmem:v17+s22+$0x0] =	vst.idx.msk $0xffff, v19;
	v17 =	vor.u32 v1, v26;
	v19 =	vld [tilespmem:s18+$0xFFFFFF60]  }
0x11e: {  	[tilespmem:v14+s22+$0x0] =	vst.idx.msk $0xffff, v12;
	v12 =	vmul.f32 $8.000000000e+00, v15;
	v15 =	vor.u32 v1, v18;
	v14 =	vld [tilespmem:s18+$0xFFFFFE60]  }
0x11f: {  	[tilespmem:v7+s22+$0x0] =	vst.idx.msk $0xffff, v13;
	v7 =	vor.u32 v1, v23;
	v20 =	vld [tilespmem:s16+$0xFFFFFFF0];
	v21 =	vmul.f32 $8.000000000e+00, v22  }
0x120: {  	v13 =	vld [tilespmem:s16+$0xFFFFFEF0];
	[tilespmem:v8+s22+$0x0] =	vst.idx.msk $0xffff, v12;
	v8 =	vor.u32 v1, v11;
	v12 =	vmul.f32 $8.000000000e+00, v25  }
0x121: {  	v24 =	vld [tilespmem:s16+$0xFFFFFF70];
	v22 =	vor.u32 v2, v5;
	[tilespmem:v6+s22+$0x0] =	vst.idx.msk $0xffff, v21;
	v6 =	vmul.f32 $8.000000000e+00, v16  }
0x122: {  	v21 =	vor.u32 v2, v9;
	v16 =	vld [tilespmem:s16+$0xFFFFFE70];
	[tilespmem:v17+s22+$0x0] =	vst.idx.msk $0xffff, v12;
	v12 =	vmul.f32 $8.000000000e+00, v19  }
0x123: {  	v14 =	vmul.f32 $8.000000000e+00, v14;
	v17 =	vor.u32 v2, v10;
	[tilespmem:v15+s22+$0x0] =	vst.idx.msk $0xffff, v6;
	v19 =	vld [tilespmem:s18+$0xFFFFFFF0]  }
0x124: {  	v6 =	vmul.f32 $8.000000000e+00, v20;
	v15 =	vor.u32 v2, v4;
	[tilespmem:v7+s22+$0x0] =	vst.idx.msk $0xffff, v12;
	v7 =	vld [tilespmem:s18+$0xFFFFFEF0]  }
0x125: {  	[tilespmem:v8+s22+$0x0] =	vst.idx.msk $0xffff, v14;
	v8 =	vor.u32 v2, v26;
	v12 =	vmul.f32 $8.000000000e+00, v13;
	v13 =	vld [tilespmem:s18+$0xFFFFFF70]  }
0x126: {  	v20 =	vor.u32 v2, v18;
	v14 =	vld [tilespmem:s18+$0xFFFFFE70];
	[tilespmem:v22+s22+$0x0] =	vst.idx.msk $0xffff, v6;
	v6 =	vmul.f32 $8.000000000e+00, v24  }
0x127: {  	v22 =	vld [tilespmem:s16+$0x0];
	v16 =	vmul.f32 $8.000000000e+00, v16;
	[tilespmem:v21+s22+$0x0] =	vst.idx.msk $0xffff, v12;
	v12 =	vor.u32 v2, v23  }
0x128: {  	v21 =	vld [tilespmem:s16+$0xFFFFFF00];
	[tilespmem:v17+s22+$0x0] =	vst.idx.msk $0xffff, v6;
	v17 =	vor.u32 v2, v11;
	v6 =	vmul.f32 $8.000000000e+00, v19  }
0x129: {  	v5 =	vor.u32 v3, v5;
	[tilespmem:v15+s22+$0x0] =	vst.idx.msk $0xffff, v16;
	v15 =	vld [tilespmem:s16+$0xFFFFFF80];
	v7 =	vmul.f32 $8.000000000e+00, v7  }
0x12a: {  	v9 =	vor.u32 v3, v9;
	v16 =	vld [tilespmem:s16+$0xFFFFFE80];
	[tilespmem:v8+s22+$0x0] =	vst.idx.msk $0xffff, v6;
	v6 =	vmul.f32 $8.000000000e+00, v13  }
0x12b: {  	v8 =	vor.u32 v3, v10;
	v13 =	vmul.f32 $8.000000000e+00, v14;
	v10 =	vld [tilespmem:s18+$0x0];
	[tilespmem:v20+s22+$0x0] =	vst.idx.msk $0xffff, v7  }
0x12c: {  	v4 =	vor.u32 v3, v4;
	v7 =	vmul.f32 $8.000000000e+00, v22;
	v14 =	vld [tilespmem:s18+$0xFFFFFF00];
	[tilespmem:v12+s22+$0x0] =	vst.idx.msk $0xffff, v6  }
0x12d: {  	v6 =	vmul.f32 $8.000000000e+00, v21;
	v12 =	vor.u32 v3, v26;
	[tilespmem:v17+s22+$0x0] =	vst.idx.msk $0xffff, v13;
	v13 =	vld [tilespmem:s18+$0xFFFFFF80]  }
0x12e: {  	[tilespmem:v5+s22+$0x0] =	vst.idx.msk $0xffff, v7;
	v5 =	vmul.f32 $8.000000000e+00, v15;
	v7 =	vld [tilespmem:s18+$0xFFFFFE80];
	v15 =	vor.u32 v3, v18  }
0x12f: {  	v16 =	vmul.f32 $8.000000000e+00, v16;
	[tilespmem:v9+s22+$0x0] =	vst.idx.msk $0xffff, v6;
	v6 =	vor.u32 v3, v23  }
0x130: {  	[tilespmem:v8+s22+$0x0] =	vst.idx.msk $0xffff, v5;
	v8 =	vor.u32 v3, v11;
	v5 =	vmul.f32 $8.000000000e+00, v10  }
0x131: {  	[tilespmem:v4+s22+$0x0] =	vst.idx.msk $0xffff, v16;
	v4 =	vmul.f32 $8.000000000e+00, v14  }
0x132: {  	[tilespmem:v12+s22+$0x0] =	vst.idx.msk $0xffff, v5;
	v5 =	vmul.f32 $8.000000000e+00, v13  }
0x133: {  	v7 =	vmul.f32 $8.000000000e+00, v7;
	[tilespmem:v15+s22+$0x0] =	vst.idx.msk $0xffff, v4  }
0x134: {  	[tilespmem:v6+s22+$0x0] =	vst.idx.msk $0xffff, v5  }
0x135: {  	s17 =	sadd.s32 s0, s8;
	[tilespmem:v8+s22+$0x0] =	vst.idx.msk $0xffff, v7  }
0x136: {  	[hbm4b:s17+s11] =	stream.strided.scatter [tilespmem:s22], [sflag:$0x5], $0x2000, s12, s11, $0x38;
	[tilespmem:$0x1A400] =	vst v63  }
0x137: {  	s2 =	sadd.s32 @!p0 $0x300, s2;
	s16 =	simm.s32 @!p0 $0x80;
	s17 =	simm.s32 @!p0 $0xE400  }
0x138: {  	[tilespmem:s17], [sflag:$0x3] =	stream.indirect.gather @!p0 [hbm4b:s5+s16], $0x80, s2, s16, $0xb8;
	[tilespmem:$0x1A400] =	vst v63  }
0x139: {  	_ =	swait.ge [sflag:s29], $0x4000  }
0x13a: {  	[sflag:s29] =	ssyncset.done $0x0  }
0x13b: {  	[sflag:s29] =	ssyncadd.s32 $0xFFFFC000  }
0x13c: {  	s18 =	simm.s32 $0x3;
	_ =	swait.ge [sflag:s24], $0x2000  }
0x13d: {  	v4 =	vmov s18;
	[sflag:s24] =	ssyncset.done $0x0  }
0x13e: {  	v4 =	vand.u32 $0x7F, v4;
	s16 =	simm.s32 $0x125B0;
	[sflag:s24] =	ssyncadd.s32 $0xFFFFE000  }
0x13f: {  	s19 =	simm.s32 $0x1;
	v11 =	vbroadcast v4, $0x0;
	v5 =	vld [tilespmem:s16+$0xFFFFFFD0]  }
0x140: {  	v4 =	vmov s19;
	s17 =	simm.s32 $0x2  }
0x141: {  	v4 =	vand.u32 $0x7D, v4;
	v9 =	vor.u32 v0, v11;
	v6 =	vmov s17  }
0x142: {  	s18 =	simm.s32 $0x0;
	v7 =	vand.u32 $0x7E, v6;
	v6 =	vbroadcast v4, $0x0;
	v10 =	vld [tilespmem:s16+$0xFFFFFED0]  }
0x143: {  	v4 =	vmov s18;
	v8 =	vbroadcast v7, $0x0  }
0x144: {  	v4 =	vand.u32 $0x7C, v4;
	v13 =	vor.u32 v0, v6;
	v12 =	vld [tilespmem:s16+$0xFFFFFF50];
	v5 =	vmul.f32 $8.000000000e+00, v5  }
0x145: {  	v7 =	vbroadcast v4, $0x0;
	v4 =	vld [tilespmem:s16+$0xFFFFFE50]  }
0x146: {  	v14 =	vor.u32 v0, v8;
	[tilespmem:v9+s25+$0x0] =	vst.idx.msk $0xffff, v5  }
0x147: {  	v5 =	vor.u32 v0, v7;
	v9 =	vmul.f32 $8.000000000e+00, v10;
	v10 =	vld [tilespmem:s16+$0xFFFFFFE0];
	_ =	sdelay $0x1  }
0x148: {  	v12 =	vmul.f32 $8.000000000e+00, v12;
	[tilespmem:v13+s25+$0x0] =	vst.idx.msk $0xffff, v9;
	v9 =	vor.u32 v1, v11  }
0x149: {  	v4 =	vmul.f32 $8.000000000e+00, v4;
	v13 =	vld [tilespmem:s16+$0xFFFFFEE0]  }
0x14a: {  	s19 =	simm.s32 $0x4;
	v23 =	vor.u32 v2, v11;
	s17 =	simm.s32 $0x7;
	[tilespmem:v14+s25+$0x0] =	vst.idx.msk $0xffff, v12  }
0x14b: {  	v12 =	vmov s19;
	v14 =	vld [tilespmem:s16+$0xFFFFFF60];
	[tilespmem:v5+s25+$0x0] =	vst.idx.msk $0xffff, v4;
	v5 =	vmul.f32 $8.000000000e+00, v10;
	v10 =	vmov s17  }
0x14c: {  	s2 =	simm.s32 $0x127B0;
	s18 =	simm.s32 $0x5;
	v16 =	vor.u32 v1, v6;
	v4 =	vand.u32 $0x7C, v12;
	v12 =	vld [tilespmem:s16+$0xFFFFFE60];
	v10 =	vand.u32 $0x7F, v10  }
0x14d: {  	v15 =	vmov s18;
	v18 =	vor.u32 v1, v8;
	v19 =	vld [tilespmem:s2+$0xFFFFFFD0];
	s19 =	simm.s32 $0x6;
	[tilespmem:v9+s25+$0x0] =	vst.idx.msk $0xffff, v5;
	v5 =	vbroadcast v10, $0x0  }
0x14e: {  	v20 =	vor.u32 v1, v7;
	v17 =	vmov s19;
	v10 =	vmul.f32 $8.000000000e+00, v13;
	v13 =	vld [tilespmem:s16+$0xFFFFFFF0]  }
0x14f: {  	v4 =	vbroadcast v4, $0x0;
	v9 =	vand.u32 $0x7D, v15;
	v15 =	vld [tilespmem:s2+$0xFFFFFE50];
	v21 =	vor.u32 v0, v5  }
0x150: {  	v22 =	vld [tilespmem:s2+$0xFFFFFED0];
	v17 =	vand.u32 $0x7E, v17;
	v14 =	vmul.f32 $8.000000000e+00, v14;
	v9 =	vbroadcast v9, $0x0  }
0x151: {  	v24 =	vld [tilespmem:s2+$0xFFFFFF50];
	[tilespmem:v16+s25+$0x0] =	vst.idx.msk $0xffff, v10;
	v16 =	vor.u32 v0, v4;
	v10 =	vbroadcast v17, $0x0;
	v12 =	vmul.f32 $8.000000000e+00, v12  }
0x152: {  	[tilespmem:v18+s25+$0x0] =	vst.idx.msk $0xffff, v14;
	v17 =	vmul.f32 $8.000000000e+00, v19;
	v14 =	vor.u32 v0, v9;
	v18 =	vld [tilespmem:s16+$0xFFFFFEF0]  }
0x153: {  	[tilespmem:v20+s25+$0x0] =	vst.idx.msk $0xffff, v12;
	v12 =	vor.u32 v0, v10;
	v20 =	vld [tilespmem:s16+$0xFFFFFF70];
	v13 =	vmul.f32 $8.000000000e+00, v13  }
0x154: {  	v26 =	vor.u32 v2, v6;
	v15 =	vmul.f32 $8.000000000e+00, v15;
	v25 =	vld [tilespmem:s16+$0xFFFFFE70];
	[tilespmem:v21+s25+$0x0] =	vst.idx.msk $0xffff, v17  }
0x155: {  	v61 =	vor.u32 v2, v8;
	v19 =	vmul.f32 $8.000000000e+00, v22;
	v27 =	vld [tilespmem:s2+$0xFFFFFFE0];
	[tilespmem:v23+s25+$0x0] =	vst.idx.msk $0xffff, v13  }
0x156: {  	v62 =	vor.u32 v2, v7;
	v22 =	vor.u32 v1, v9;
	[tilespmem:v16+s25+$0x0] =	vst.idx.msk $0xffff, v15;
	v15 =	vmul.f32 $8.000000000e+00, v24;
	v63 =	vld [tilespmem:s16+$0x0]  }
0x157: {  	s18 =	simm.s32 $0x8;
	s19 =	simm.s32 $0x9;
	v21 =	vor.u32 v3, v11;
	v17 =	vld [tilespmem:s2+$0xFFFFFE60];
	[tilespmem:v14+s25+$0x0] =	vst.idx.msk $0xffff, v19;
	v19 =	vor.u32 v1, v5;
	v14 =	vmul.f32 $8.000000000e+00, v18  }
0x158: {  	v13 =	vmov s18;
	v18 =	vmov s19;
	v16 =	vld [tilespmem:s2+$0xFFFFFEE0];
	[tilespmem:v12+s25+$0x0] =	vst.idx.msk $0xffff, v15;
	v15 =	vmul.f32 $8.000000000e+00, v20  }
0x159: {  	s18 =	simm.s32 $0xA;
	v13 =	vand.u32 $0x7C, v13;
	v20 =	vor.u32 v1, v4;
	[tilespmem:v26+s25+$0x0] =	vst.idx.msk $0xffff, v14;
	v12 =	vld [tilespmem:s2+$0xFFFFFF60];
	v25 =	vmul.f32 $8.000000000e+00, v25  }
0x15a: {  	s19 =	simm.s32 $0xB;
	v23 =	vmov s18;
	v11 =	vbroadcast v13, $0x0;
	v13 =	vld [tilespmem:s16+$0xFFFFFF00];
	[tilespmem:v61+s25+$0x0] =	vst.idx.msk $0xffff, v15;
	v24 =	vmul.f32 $8.000000000e+00, v27  }
0x15b: {  	s17 =	simm.s32 $0xC;
	v26 =	vmov s19;
	v14 =	vor.u32 v1, v10;
	[tilespmem:v62+s25+$0x0] =	vst.idx.msk $0xffff, v25;
	v15 =	vld [tilespmem:s16+$0xFFFFFF80];
	v25 =	vmul.f32 $8.000000000e+00, v63  }
.LBB2_13:
0x15c: {  	p1 =	slt.u32 s17, $0x7C;
	v26 =	vand.u32 $0x7F, v26;
	v17 =	vmul.f32 $8.000000000e+00, v17;
	[tilespmem:v19+s25+$0x0] =	vst.idx.msk $0xffff, v24;
	v19 =	vld [tilespmem:s16+$0xFFFFFE80];
	v24 =	vor.u32 v3, v6;
	v6 =	vmovc v9;
	s16 =	smov.u32 s2;
	s2 =	sadd.s32 $0x200, s2  }
0x15d: {  	v27 =	vld [tilespmem:s2+$0xFFFFFFD0];
	v26 =	vbroadcast v26, $0x0;
	v9 =	vmul.f32 $8.000000000e+00, v16;
	v16 =	vor.u32 v3, v8;
	[tilespmem:v21+s25+$0x0] =	vst.idx.msk $0xffff, v25;
	v8 =	vmovc v10  }
0x15e: {  	v10 =	vand.u32 $0x7D, v18;
	v18 =	vor.u32 v3, v7;
	v7 =	vmovc v4;
	[tilespmem:v20+s25+$0x0] =	vst.idx.msk $0xffff, v17;
	v12 =	vmul.f32 $8.000000000e+00, v12;
	v17 =	vld [tilespmem:s16+$0xFFFFFFF0]  }
0x15f: {  	v21 =	vand.u32 $0x7E, v23;
	v4 =	vmovc v11;
	v20 =	vld [tilespmem:s2+$0xFFFFFE50];
	v23 =	vor.u32 v0, v26;
	[tilespmem:v22+s25+$0x0] =	vst.idx.msk $0xffff, v9;
	v13 =	vmul.f32 $8.000000000e+00, v13  }
0x160: {  	v9 =	vbroadcast v10, $0x0;
	v11 =	vld [tilespmem:s2+$0xFFFFFED0];
	[tilespmem:v14+s25+$0x0] =	vst.idx.msk $0xffff, v12;
	v12 =	vor.u32 v2, v5;
	v14 =	vmul.f32 $8.000000000e+00, v15  }
0x161: {  	v10 =	vbroadcast v21, $0x0;
	v15 =	vor.u32 v0, v4;
	v22 =	vld [tilespmem:s2+$0xFFFFFF50];
	v19 =	vmul.f32 $8.000000000e+00, v19;
	[tilespmem:v24+s25+$0x0] =	vst.idx.msk $0xffff, v13  }
0x162: {  	v13 =	vor.u32 v0, v9;
	v21 =	vmul.f32 $8.000000000e+00, v27;
	v24 =	vld [tilespmem:s16+$0xFFFFFEF0];
	[tilespmem:v16+s25+$0x0] =	vst.idx.msk $0xffff, v14  }
0x163: {  	v14 =	vor.u32 v0, v10;
	v25 =	vld [tilespmem:s16+$0xFFFFFF70];
	v16 =	vmul.f32 $8.000000000e+00, v17;
	[tilespmem:v18+s25+$0x0] =	vst.idx.msk $0xffff, v19  }
0x164: {  	v28 =	vor.u32 v2, v6;
	v17 =	vmul.f32 $8.000000000e+00, v20;
	[tilespmem:v23+s25+$0x0] =	vst.idx.msk $0xffff, v21;
	v27 =	vld [tilespmem:s16+$0xFFFFFE70]  }
0x165: {  	v30 =	vor.u32 v2, v8;
	v11 =	vmul.f32 $8.000000000e+00, v11;
	v29 =	vld [tilespmem:s2+$0xFFFFFFE0];
	[tilespmem:v12+s25+$0x0] =	vst.idx.msk $0xffff, v16  }
0x166: {  	v31 =	vor.u32 v2, v7;
	v12 =	vmov s17;
	[tilespmem:v15+s25+$0x0] =	vst.idx.msk $0xffff, v17;
	v15 =	vmul.f32 $8.000000000e+00, v22;
	v32 =	vld [tilespmem:s16+$0x0]  }
.Ltmp8:
0x167: {  	s18 =	sadd.s32 $0x1, s17;
	v19 =	vor.u32 v1, v26;
	v22 =	vand.u32 $0x7C, v12;
	v17 =	vld [tilespmem:s2+$0xFFFFFE60];
	[tilespmem:v13+s25+$0x0] =	vst.idx.msk $0xffff, v11;
	v11 =	vmul.f32 $8.000000000e+00, v24;
	(pc) =	sbr.rel @p1 .LBB2_13-.Ltmp8, $4  }
0x168: {  	v18 =	vmov s18;
	s18 =	sadd.s32 $0x2, s17;
	v21 =	vor.u32 v3, v5;
	v5 =	vmovc v26;
	v16 =	vld [tilespmem:s2+$0xFFFFFEE0];
	[tilespmem:v14+s25+$0x0] =	vst.idx.msk $0xffff, v15;
	v14 =	vmul.f32 $8.000000000e+00, v25  }
0x169: {  	v23 =	vmov s18;
	v20 =	vor.u32 v1, v4;
	v12 =	vld [tilespmem:s2+$0xFFFFFF60];
	v15 =	vmul.f32 $8.000000000e+00, v27;
	[tilespmem:v28+s25+$0x0] =	vst.idx.msk $0xffff, v11  }
0x16a: {  	s18 =	sadd.s32 $0x3, s17;
	v11 =	vbroadcast v22, $0x0;
	v22 =	vor.u32 v1, v9;
	v24 =	vmul.f32 $8.000000000e+00, v29;
	v13 =	vld [tilespmem:s16+$0xFFFFFF00];
	[tilespmem:v30+s25+$0x0] =	vst.idx.msk $0xffff, v14  }
0x16b: {  	v26 =	vmov s18;
	s17 =	sadd.s32 $0x4, s17;
	v14 =	vor.u32 v1, v10;
	[tilespmem:v31+s25+$0x0] =	vst.idx.msk $0xffff, v15;
	v15 =	vld [tilespmem:s16+$0xFFFFFF80];
	v25 =	vmul.f32 $8.000000000e+00, v32  }
0x16c: {  	v26 =	vand.u32 $0x7F, v26;
	s17 =	sadd.s32 $0x200, s2  }
0x16d: {  	v18 =	vand.u32 $0x7D, v18;
	v27 =	vld [tilespmem:s17+$0xFFFFFFD0];
	v26 =	vbroadcast v26, $0x0  }
0x16e: {  	v28 =	vld [tilespmem:s17+$0xFFFFFED0];
	v18 =	vbroadcast v18, $0x0  }
0x16f: {  	v23 =	vand.u32 $0x7E, v23;
	v47 =	vld [tilespmem:s17+$0xFFFFFE50];
	v29 =	vor.u32 v0, v26  }
0x170: {  	v17 =	vmul.f32 $8.000000000e+00, v17;
	[tilespmem:v19+s25+$0x0] =	vst.idx.msk $0xffff, v24;
	v30 =	vld [tilespmem:s17+$0xFFFFFF50];
	v23 =	vbroadcast v23, $0x0;
	v48 =	vor.u32 v0, v18  }
0x171: {  	v50 =	vor.u32 v0, v11;
	[tilespmem:v21+s25+$0x0] =	vst.idx.msk $0xffff, v25;
	v16 =	vmul.f32 $8.000000000e+00, v16  }
0x172: {  	[tilespmem:v20+s25+$0x0] =	vst.idx.msk $0xffff, v17;
	v49 =	vor.u32 v0, v23;
	v51 =	vmul.f32 $8.000000000e+00, v27  }
0x173: {  	[tilespmem:v22+s25+$0x0] =	vst.idx.msk $0xffff, v16;
	v52 =	vmul.f32 $8.000000000e+00, v28  }
0x174: {  	v53 =	vld [tilespmem:s16+$0xFFFFFE80];
	v6 =	vor.u32 v3, v6;
	v19 =	vmul.f32 $8.000000000e+00, v47;
	[tilespmem:v29+s25+$0x0] =	vst.idx.msk $0xffff, v51  }
0x175: {  	v8 =	vor.u32 v3, v8;
	v54 =	vmul.f32 $8.000000000e+00, v30;
	[tilespmem:v48+s25+$0x0] =	vst.idx.msk $0xffff, v52;
	v55 =	vld [tilespmem:s17+$0xFFFFFFE0]  }
0x176: {  	v7 =	vor.u32 v3, v7;
	v12 =	vmul.f32 $8.000000000e+00, v12;
	[tilespmem:v50+s25+$0x0] =	vst.idx.msk $0xffff, v19;
	v16 =	vld [tilespmem:s17+$0xFFFFFEE0]  }
0x177: {  	v13 =	vmul.f32 $8.000000000e+00, v13;
	v56 =	vor.u32 v1, v26;
	[tilespmem:v49+s25+$0x0] =	vst.idx.msk $0xffff, v54;
	v59 =	vld [tilespmem:s17+$0xFFFFFE60]  }
0x178: {  	v60 =	vor.u32 v1, v18;
	[tilespmem:v14+s25+$0x0] =	vst.idx.msk $0xffff, v12;
	v58 =	vmul.f32 $8.000000000e+00, v15;
	v57 =	vld [tilespmem:s17+$0xFFFFFF60]  }
0x179: {  	v61 =	vld [tilespmem:s2+$0xFFFFFFF0];
	v20 =	vmul.f32 $8.000000000e+00, v53;
	[tilespmem:v6+s25+$0x0] =	vst.idx.msk $0xffff, v13;
	v28 =	vor.u32 v1, v11  }
0x17a: {  	v62 =	vor.u32 v1, v23;
	v63 =	vld [tilespmem:s2+$0xFFFFFEF0];
	[tilespmem:v8+s25+$0x0] =	vst.idx.msk $0xffff, v58;
	v29 =	vmul.f32 $8.000000000e+00, v55  }
0x17b: {  	v31 =	vld [tilespmem:s2+$0xFFFFFF70];
	v30 =	vor.u32 v2, v5;
	[tilespmem:v7+s25+$0x0] =	vst.idx.msk $0xffff, v20;
	v32 =	vmul.f32 $8.000000000e+00, v16  }
0x17c: {  	v34 =	vor.u32 v2, v9;
	v33 =	vld [tilespmem:s2+$0xFFFFFE70];
	v14 =	vmul.f32 $8.000000000e+00, v59;
	[tilespmem:v56+s25+$0x0] =	vst.idx.msk $0xffff, v29  }
0x17d: {  	v36 =	vor.u32 v2, v10;
	v35 =	vmul.f32 $8.000000000e+00, v57;
	[tilespmem:v60+s25+$0x0] =	vst.idx.msk $0xffff, v32;
	v37 =	vld [tilespmem:s17+$0xFFFFFFF0]  }
0x17e: {  	v39 =	vor.u32 v2, v4;
	v38 =	vmul.f32 $8.000000000e+00, v61;
	[tilespmem:v28+s25+$0x0] =	vst.idx.msk $0xffff, v14;
	v40 =	vld [tilespmem:s17+$0xFFFFFEF0]  }
0x17f: {  	v42 =	vor.u32 v2, v26;
	v41 =	vmul.f32 $8.000000000e+00, v63;
	[tilespmem:v62+s25+$0x0] =	vst.idx.msk $0xffff, v35;
	v14 =	vld [tilespmem:s17+$0xFFFFFE70]  }
0x180: {  	v45 =	vor.u32 v2, v18;
	v44 =	vmul.f32 $8.000000000e+00, v31;
	[tilespmem:v30+s25+$0x0] =	vst.idx.msk $0xffff, v38;
	v43 =	vld [tilespmem:s17+$0xFFFFFF70]  }
0x181: {  	v48 =	vor.u32 v2, v11;
	[tilespmem:v34+s25+$0x0] =	vst.idx.msk $0xffff, v41;
	v22 =	vld [tilespmem:s2+$0x0];
	v16 =	vmul.f32 $8.000000000e+00, v33  }
0x182: {  	v46 =	vor.u32 v2, v23;
	v20 =	vld [tilespmem:s2+$0xFFFFFF00];
	[tilespmem:v36+s25+$0x0] =	vst.idx.msk $0xffff, v44;
	v47 =	vmul.f32 $8.000000000e+00, v37  }
0x183: {  	v5 =	vor.u32 v3, v5;
	v49 =	vld [tilespmem:s2+$0xFFFFFF80];
	[tilespmem:v39+s25+$0x0] =	vst.idx.msk $0xffff, v16;
	v6 =	vmul.f32 $8.000000000e+00, v40  }
0x184: {  	v50 =	vor.u32 v3, v9;
	v16 =	vld [tilespmem:s2+$0xFFFFFE80];
	v54 =	vmul.f32 $8.000000000e+00, v14;
	[tilespmem:v42+s25+$0x0] =	vst.idx.msk $0xffff, v47  }
0x185: {  	v52 =	vor.u32 v3, v10;
	v51 =	vmul.f32 $8.000000000e+00, v43;
	[tilespmem:v45+s25+$0x0] =	vst.idx.msk $0xffff, v6;
	v53 =	vld [tilespmem:s17+$0x0]  }
0x186: {  	v4 =	vor.u32 v3, v4;
	v55 =	vmul.f32 $8.000000000e+00, v22;
	[tilespmem:v48+s25+$0x0] =	vst.idx.msk $0xffff, v54;
	v56 =	vld [tilespmem:s17+$0xFFFFFF00]  }
0x187: {  	v58 =	vor.u32 v3, v26;
	v57 =	vmul.f32 $8.000000000e+00, v20;
	[tilespmem:v46+s25+$0x0] =	vst.idx.msk $0xffff, v51;
	v60 =	vld [tilespmem:s17+$0xFFFFFE80]  }
0x188: {  	v61 =	vor.u32 v3, v18;
	[tilespmem:v5+s25+$0x0] =	vst.idx.msk $0xffff, v55;
	v5 =	vmul.f32 $8.000000000e+00, v49;
	v59 =	vld [tilespmem:s17+$0xFFFFFF80]  }
0x189: {  	v63 =	vor.u32 v3, v11;
	[tilespmem:v50+s25+$0x0] =	vst.idx.msk $0xffff, v57;
	v16 =	vmul.f32 $8.000000000e+00, v16  }
0x18a: {  	v62 =	vor.u32 v3, v23;
	[tilespmem:v52+s25+$0x0] =	vst.idx.msk $0xffff, v5;
	v5 =	vmul.f32 $8.000000000e+00, v53  }
0x18b: {  	[tilespmem:v4+s25+$0x0] =	vst.idx.msk $0xffff, v16;
	v4 =	vmul.f32 $8.000000000e+00, v56  }
.Ltmp9:
0x18c: {  	v6 =	vmul.f32 $8.000000000e+00, v60;
	[tilespmem:v58+s25+$0x0] =	vst.idx.msk $0xffff, v5;
	(pc) =	sbr.rel @p0 .LBB2_16-.Ltmp9, $4  }
0x18d: {  	v5 =	vmul.f32 $8.000000000e+00, v59;
	[tilespmem:v61+s25+$0x0] =	vst.idx.msk $0xffff, v4  }
0x18e: {  	[tilespmem:v63+s25+$0x0] =	vst.idx.msk $0xffff, v6  }
0x18f: {  	s0 =	sadd.s32 s0, s9;
	[tilespmem:v62+s25+$0x0] =	vst.idx.msk $0xffff, v5  }
0x190: {  	[hbm4b:s0+s11] =	stream.strided.scatter [tilespmem:s25], [sflag:$0x6], $0x2000, s12, s11, $0x38;
	[tilespmem:$0x1A400] =	vst v63  }
.Ltmp10:
0x191: {  	(pc) =	sbr.rel .LBB2_2-.Ltmp10, $4  }
0x192: {  	s0 =	sshll.u32 s31, $0x9  }
0x193: {  	s0 =	sand.u32 $0x3FFFFE00, s0  }
0x194: {  	s31 =	sadd.s32 $0x1, s31;
	s0 =	sadd.s32 $0x380, s0  }
0x195: {  	[tilespmem:s20], [sflag:$0x4] =	stream.indirect.gather [hbm4b:s5+s14], $0x80, s0, s14, $0xb8;
	[tilespmem:$0x1A400] =	vst v63  }
.LBB2_17:
0x196: {  	_ =	sfence.sel $0x180000  }
0x197: {  	[bflag:$0x0] =	sbarrier.arrive $0xFFFF  }
0x198: {  	_ =	strace $0x90000047  }
0x199: {  	s0 =	stileid.u32;
	[bflag:$0x2] =	sbarrier.arrive $0xFFFF  }
0x19a: {  	p0 =	sne.s32 s0, $0x0;
	s0 =	rddreg [dreg:$0x3]  }
0x19b: {  	s0 =	sadd.s32 @!p0 $0x100000, s0  }
0x19c: {  	[sflag:s0] =	ssyncadd.tile.s32 @!p0 $0x1;
	_ =	shalt  }
.Lfunc_end2:
_tile_overlayer_lowered:
.L_overlay_start_2:
0x19d: {  	(tag) =	ssettag $0x2  }
0x19e: {  	s0 =	rddreg [dreg:$0x0];
	s2 =	stileid.u32  }
0x19f: {  	s1 =	rddreg [dreg:$0x1];
	p0 =	sne.s32 s2, $0x0  }
0x1a0: {  	s3 =	rddreg [dreg:$0x2];
	[bflag:$0x3] =	sbarrier.arrive $0xFFFF;
	s2 =	simm.s32 @!p0 $0x1C07  }
0x1a1: {  	[timem:s3], [sflag:s2] =	dma.local @!p0 [hbm:s0], s1  }
0x1a2: {  	s0 =	simm.s32 @!p0 $0x7  }
0x1a3: {  	_ =	swait.ge @!p0 [sflag:s0], s1  }
0x1a4: {  	s1 =	ssub.s32 @!p0 $0x0, s1;
	[sflag:s0] =	ssyncset.done @!p0 $0x0  }
0x1a5: {  	[sflag:s0] =	ssyncadd.s32 @!p0 s1  }
0x1a6: {  	[bflag:$0x3] =	sbarrier.arrive $0xFFFF  }
0x1a7: {  	_ =	shalt  }

</sc_bundles>
